<compile_context>
chip_gen: v7x
topology: tpu7x:2x2x1
jax: 0.10.2.dev20260603
libtpu: 0.0.44.dev20260713+nightly
codegen_flags: <defaults>
</compile_context>

<pallas_src>
import functools

import jax
import jax.numpy as jnp
from jax import lax
from jax.experimental import pallas as pl
from jax.experimental.pallas import tpu as pltpu
from jax.experimental.pallas import tpu_sc as plsc

DIM = 1024
NUM_CORES = 2
NUM_SUBCORES = 16
NUM_WORKERS = NUM_CORES * NUM_SUBCORES
CHUNK = 8
NBUF = 8
LOOK = 4


@functools.partial(jax.jit, static_argnames=("total",))
def _gather_rows(idx, weight, *, total):
    rows_per_w = total // NUM_WORKERS
    n_chunks = rows_per_w // CHUNK
    n_outer = n_chunks // NBUF
    mesh = plsc.VectorSubcoreMesh(core_axis_name="c", subcore_axis_name="s")

    @functools.partial(
        pl.kernel,
        out_type=jax.ShapeDtypeStruct((total, DIM), jnp.float32),
        mesh=mesh,
        scratch_types=[
            pltpu.VMEM((rows_per_w,), jnp.int32),
            pltpu.VMEM((NBUF, CHUNK, DIM), jnp.float32),
            [pltpu.SemaphoreType.DMA] * NBUF,
            [pltpu.SemaphoreType.DMA] * NBUF,
        ],
        compiler_params=pltpu.CompilerParams(use_tc_tiling_on_sc=True),
    )
    def k(idx_hbm, table_hbm, out_hbm, idx_v, bufs, gsem, wsem):
        wid = lax.axis_index("s") * NUM_CORES + lax.axis_index("c")
        base = wid * rows_per_w
        pltpu.sync_copy(idx_hbm.at[pl.ds(base, rows_per_w)], idx_v)

        def start_gather(g, b):
            pltpu.make_async_copy(
                table_hbm.at[idx_v.at[pl.ds(g * CHUNK, CHUNK)]],
                bufs.at[b],
                gsem[b],
            ).start()

        def wait_gather(b):
            pltpu.make_async_copy(
                table_hbm.at[idx_v.at[pl.ds(0, CHUNK)]], bufs.at[b], gsem[b]
            ).wait()

        def start_write(j, b):
            pltpu.make_async_copy(
                bufs.at[b], out_hbm.at[pl.ds(base + j * CHUNK, CHUNK)], wsem[b]
            ).start()

        def wait_write(b):
            pltpu.make_async_copy(
                bufs.at[b], out_hbm.at[pl.ds(base, CHUNK)], wsem[b]
            ).wait()

        for c in range(LOOK):
            start_gather(c, c)

        def outer(o, carry):
            for b in range(NBUF):
                j = o * NBUF + b
                g = j + LOOK
                gb = (b + LOOK) % NBUF

                @pl.when(g < n_chunks)
                def _issue():
                    @pl.when(g >= NBUF)
                    def _drain():
                        wait_write(gb)

                    start_gather(g, gb)

                wait_gather(b)
                start_write(j, b)
            return carry

        lax.fori_loop(0, n_outer, outer, 0)
        for b in range(NBUF):
            wait_write(b)

    return k(idx, weight)


def kernel(input, weight):
    total = input.shape[0] * input.shape[1]
    idx = input.reshape(total).astype(jnp.int32)
    out = _gather_rows(idx, weight, total=total)
    return out.reshape(input.shape + (DIM,))

# --- scband reference (transcript-rebuilt; emitter-appended) ---
"""Pipeline reference for scband-position-embedding-40097814676021 (READ-ONLY COPY).

The authoritative reference and input builder live on the scoring server;
editing this copy changes nothing except your own understanding.
"""

import jax, jax.numpy as jnp
import numpy as np

DIM = 1024
MAX_LENGTH = 8192

def _build_position_enc(dim, max_length):
    position_enc = np.array([[pos / np.power(10000, 2 * i / dim) for i in range(dim)] for pos in range(max_length)])
    position_enc[:, 0::2] = np.sin(position_enc[:, 0::2])
    position_enc[:, 1::2] = np.cos(position_enc[:, 1::2])
    return position_enc.astype(np.float32)

def setup_inputs(seed: int = 0) -> dict:
    key = jax.random.key(seed)
    k_idx = jax.random.fold_in(key, 1)
    inp = jax.random.randint(k_idx, (4, 8192), 0, MAX_LENGTH, dtype=jnp.int64 if jax.config.read('jax_enable_x64') else jnp.int32)
    weight = jnp.asarray(_build_position_enc(DIM, MAX_LENGTH))
    return {"input": inp, "weight": weight}

def reference(input, weight):
    # torch: self.weight.index(input.data)  == weight[input]
    return jnp.take(weight, input, axis=0)

if __name__ == "__main__":
    import jax
    _d = setup_inputs()
    print(jax.jit(kernel)(*tuple(_d.values())))

</pallas_src>

<mosaic_0001>
#map = affine_map<(d0, d1) -> (0)>
#map1 = affine_map<(d0, d1) -> (0, 0)>
module attributes {stable_mosaic.version = 14 : i64} {
  func.func @k(%arg0: i32, %arg1: i32, %arg2: memref<32768xi32, #tpu.memory_space<hbm>>, %arg3: memref<8192x1024xf32, #tpu.memory_space<hbm>>, %arg4: memref<32768x1024xf32, #tpu.memory_space<hbm>>, %arg5: memref<1024xi32, #tpu.memory_space<vmem>>, %arg6: memref<8x8x1024xf32, #tpu.memory_space<vmem>>, %arg7: memref<!tpu.dma_semaphore, #tpu.memory_space<semaphore_mem>>, %arg8: memref<!tpu.dma_semaphore, #tpu.memory_space<semaphore_mem>>, %arg9: memref<!tpu.dma_semaphore, #tpu.memory_space<semaphore_mem>>, %arg10: memref<!tpu.dma_semaphore, #tpu.memory_space<semaphore_mem>>, %arg11: memref<!tpu.dma_semaphore, #tpu.memory_space<semaphore_mem>>, %arg12: memref<!tpu.dma_semaphore, #tpu.memory_space<semaphore_mem>>, %arg13: memref<!tpu.dma_semaphore, #tpu.memory_space<semaphore_mem>>, %arg14: memref<!tpu.dma_semaphore, #tpu.memory_space<semaphore_mem>>, %arg15: memref<!tpu.dma_semaphore, #tpu.memory_space<semaphore_mem>>, %arg16: memref<!tpu.dma_semaphore, #tpu.memory_space<semaphore_mem>>, %arg17: memref<!tpu.dma_semaphore, #tpu.memory_space<semaphore_mem>>, %arg18: memref<!tpu.dma_semaphore, #tpu.memory_space<semaphore_mem>>, %arg19: memref<!tpu.dma_semaphore, #tpu.memory_space<semaphore_mem>>, %arg20: memref<!tpu.dma_semaphore, #tpu.memory_space<semaphore_mem>>, %arg21: memref<!tpu.dma_semaphore, #tpu.memory_space<semaphore_mem>>, %arg22: memref<!tpu.dma_semaphore, #tpu.memory_space<semaphore_mem>>) attributes {dimension_semantics = [#tpu.dimension_semantics<core_parallel>, #tpu.dimension_semantics<subcore_parallel>], iteration_bounds = array<i64: 2, 16>, scalar_prefetch = 0 : i64, scratch_operands = 18 : i64, tpu.core_type = #tpu.core_type<sc_vector_subcore>, window_params = [{transform_indices = #map}, {transform_indices = #map1}, {transform_indices = #map1}]} {
    %mul3A = arith.constant 2 : i32
    %mul3A_0 = arith.muli %arg1, %mul3A : i32
    %add3A = arith.addi %mul3A_0, %arg0 : i32
    %mul3A_1 = arith.constant 1024 : i32
    %mul3A_2 = arith.muli %add3A, %mul3A_1 : i32
    "tpu.region"() ({
      %run_scoped3A = tpu.sem_alloc : memref<!tpu.dma_semaphore, #tpu.memory_space<semaphore_mem>>
      %dma_start3A_150 = tpu.memref_slice %arg2[%mul3A_2] : memref<32768xi32, #tpu.memory_space<hbm>> -> memref<1024xi32, #tpu.memory_space<hbm>>
      %dma_start3A_151 = tpu.memref_slice %arg2[%mul3A_2] : memref<32768xi32, #tpu.memory_space<hbm>> -> memref<1024xi32, #tpu.memory_space<hbm>>
      tpu.enqueue_dma source(%dma_start3A_151 : memref<1024xi32, #tpu.memory_space<hbm>>) target(%arg5 : memref<1024xi32, #tpu.memory_space<vmem>>) target_semaphore(%run_scoped3A : memref<!tpu.dma_semaphore, #tpu.memory_space<semaphore_mem>>)
      %dma_wait3A_152 = tpu.memref_slice %arg2[%mul3A_2] : memref<32768xi32, #tpu.memory_space<hbm>> -> memref<1024xi32, #tpu.memory_space<hbm>>
      %dma_wait3A_153 = tpu.memref_slice %arg2[%mul3A_2] : memref<32768xi32, #tpu.memory_space<hbm>> -> memref<1024xi32, #tpu.memory_space<hbm>>
      tpu.wait_dma2 semaphore(%run_scoped3A : memref<!tpu.dma_semaphore, #tpu.memory_space<semaphore_mem>>) src(%dma_wait3A_153 : memref<1024xi32, #tpu.memory_space<hbm>>) dst(%arg5 : memref<1024xi32, #tpu.memory_space<vmem>>)
      tpu.yield
    }) : () -> ()
    %dma_start3A = arith.constant 0 : i32
    %dma_start3A_3 = arith.constant 0 : i32
    %dma_start3A_4 = arith.constant 0 : i32
    %dma_start3A_5 = tpu.memref_slice %arg6[%dma_start3A, %dma_start3A_3, %dma_start3A_4] : memref<8x8x1024xf32, #tpu.memory_space<vmem>> -> memref<1x8x1024xf32, #tpu.memory_space<vmem>>
    %dma_start3A_6 = tpu.memref_squeeze %dma_start3A_5 : memref<1x8x1024xf32, #tpu.memory_space<vmem>> -> memref<8x1024xf32, #tpu.memory_space<vmem>>
    %dma_start3A_7 = arith.constant 0 : i32
    %dma_start3A_8 = tpu.memref_slice %arg5[%dma_start3A_7] : memref<1024xi32, #tpu.memory_space<vmem>> -> memref<8xi32, #tpu.memory_space<vmem>>
    %dma_start3A_9 = arith.constant 0 : i32
    %dma_start3A_10 = arith.constant 0 : i32
    %dma_start3A_11 = tpu.memref_slice %arg3[%dma_start3A_9, %dma_start3A_10] : memref<8192x1024xf32, #tpu.memory_space<hbm>> -> memref<8192x1024xf32, #tpu.memory_space<hbm>>
    tpu.enqueue_indirect_dma source(%dma_start3A_11 : memref<8192x1024xf32, #tpu.memory_space<hbm>>) target(%dma_start3A_6 : memref<8x1024xf32, #tpu.memory_space<vmem>>) offsets(%dma_start3A_8 : memref<8xi32, #tpu.memory_space<vmem>>) semaphore(%arg7 : memref<!tpu.dma_semaphore, #tpu.memory_space<semaphore_mem>>)
    %dma_start3A_12 = arith.constant 1 : i32
    %dma_start3A_13 = arith.constant 0 : i32
    %dma_start3A_14 = arith.constant 0 : i32
    %dma_start3A_15 = tpu.memref_slice %arg6[%dma_start3A_12, %dma_start3A_13, %dma_start3A_14] : memref<8x8x1024xf32, #tpu.memory_space<vmem>> -> memref<1x8x1024xf32, #tpu.memory_space<vmem>>
    %dma_start3A_16 = tpu.memref_squeeze %dma_start3A_15 : memref<1x8x1024xf32, #tpu.memory_space<vmem>> -> memref<8x1024xf32, #tpu.memory_space<vmem>>
    %dma_start3A_17 = arith.constant 8 : i32
    %dma_start3A_18 = tpu.memref_slice %arg5[%dma_start3A_17] : memref<1024xi32, #tpu.memory_space<vmem>> -> memref<8xi32, #tpu.memory_space<vmem>>
    %dma_start3A_19 = arith.constant 0 : i32
    %dma_start3A_20 = arith.constant 0 : i32
    %dma_start3A_21 = tpu.memref_slice %arg3[%dma_start3A_19, %dma_start3A_20] : memref<8192x1024xf32, #tpu.memory_space<hbm>> -> memref<8192x1024xf32, #tpu.memory_space<hbm>>
    tpu.enqueue_indirect_dma source(%dma_start3A_21 : memref<8192x1024xf32, #tpu.memory_space<hbm>>) target(%dma_start3A_16 : memref<8x1024xf32, #tpu.memory_space<vmem>>) offsets(%dma_start3A_18 : memref<8xi32, #tpu.memory_space<vmem>>) semaphore(%arg8 : memref<!tpu.dma_semaphore, #tpu.memory_space<semaphore_mem>>)
    %dma_start3A_22 = arith.constant 2 : i32
    %dma_start3A_23 = arith.constant 0 : i32
    %dma_start3A_24 = arith.constant 0 : i32
    %dma_start3A_25 = tpu.memref_slice %arg6[%dma_start3A_22, %dma_start3A_23, %dma_start3A_24] : memref<8x8x1024xf32, #tpu.memory_space<vmem>> -> memref<1x8x1024xf32, #tpu.memory_space<vmem>>
    %dma_start3A_26 = tpu.memref_squeeze %dma_start3A_25 : memref<1x8x1024xf32, #tpu.memory_space<vmem>> -> memref<8x1024xf32, #tpu.memory_space<vmem>>
    %dma_start3A_27 = arith.constant 16 : i32
    %dma_start3A_28 = tpu.memref_slice %arg5[%dma_start3A_27] : memref<1024xi32, #tpu.memory_space<vmem>> -> memref<8xi32, #tpu.memory_space<vmem>>
    %dma_start3A_29 = arith.constant 0 : i32
    %dma_start3A_30 = arith.constant 0 : i32
    %dma_start3A_31 = tpu.memref_slice %arg3[%dma_start3A_29, %dma_start3A_30] : memref<8192x1024xf32, #tpu.memory_space<hbm>> -> memref<8192x1024xf32, #tpu.memory_space<hbm>>
    tpu.enqueue_indirect_dma source(%dma_start3A_31 : memref<8192x1024xf32, #tpu.memory_space<hbm>>) target(%dma_start3A_26 : memref<8x1024xf32, #tpu.memory_space<vmem>>) offsets(%dma_start3A_28 : memref<8xi32, #tpu.memory_space<vmem>>) semaphore(%arg9 : memref<!tpu.dma_semaphore, #tpu.memory_space<semaphore_mem>>)
    %dma_start3A_32 = arith.constant 3 : i32
    %dma_start3A_33 = arith.constant 0 : i32
    %dma_start3A_34 = arith.constant 0 : i32
    %dma_start3A_35 = tpu.memref_slice %arg6[%dma_start3A_32, %dma_start3A_33, %dma_start3A_34] : memref<8x8x1024xf32, #tpu.memory_space<vmem>> -> memref<1x8x1024xf32, #tpu.memory_space<vmem>>
    %dma_start3A_36 = tpu.memref_squeeze %dma_start3A_35 : memref<1x8x1024xf32, #tpu.memory_space<vmem>> -> memref<8x1024xf32, #tpu.memory_space<vmem>>
    %dma_start3A_37 = arith.constant 24 : i32
    %dma_start3A_38 = tpu.memref_slice %arg5[%dma_start3A_37] : memref<1024xi32, #tpu.memory_space<vmem>> -> memref<8xi32, #tpu.memory_space<vmem>>
    %dma_start3A_39 = arith.constant 0 : i32
    %dma_start3A_40 = arith.constant 0 : i32
    %dma_start3A_41 = tpu.memref_slice %arg3[%dma_start3A_39, %dma_start3A_40] : memref<8192x1024xf32, #tpu.memory_space<hbm>> -> memref<8192x1024xf32, #tpu.memory_space<hbm>>
    tpu.enqueue_indirect_dma source(%dma_start3A_41 : memref<8192x1024xf32, #tpu.memory_space<hbm>>) target(%dma_start3A_36 : memref<8x1024xf32, #tpu.memory_space<vmem>>) offsets(%dma_start3A_38 : memref<8xi32, #tpu.memory_space<vmem>>) semaphore(%arg10 : memref<!tpu.dma_semaphore, #tpu.memory_space<semaphore_mem>>)
    %scan3A = arith.constant 0 : i32
    %scan3A_42 = arith.constant 0 : i32
    %scan3A_43 = arith.constant 16 : i32
    %scan3A_44 = arith.addi %scan3A_42, %scan3A_43 : i32
    %scan3A_45 = arith.constant 1 : i32
    scf.for %scan3A_150 = %scan3A_42 to %scan3A_44 step %scan3A_45  : i32 {
      %mul3A_151 = arith.constant 8 : i32
      %mul3A_152 = arith.muli %scan3A_150, %mul3A_151 : i32
      %add3A_153 = arith.constant 0 : i32
      %add3A_154 = arith.addi %mul3A_152, %add3A_153 : i32
      %add3A_155 = arith.constant 4 : i32
      %add3A_156 = arith.addi %add3A_154, %add3A_155 : i32
      %lt3A = arith.constant 128 : i32
      %lt3A_157 = arith.cmpi slt, %add3A_156, %lt3A : i32
      %convert_element_type3A = arith.extui %lt3A_157 : i1 to i32
      %cond3A = arith.constant 0 : i32
      %cond3A_158 = arith.cmpi ne, %convert_element_type3A, %cond3A : i32
      scf.if %cond3A_158 {
        %ge3A = arith.constant 8 : i32
        %ge3A_444 = arith.cmpi sge, %add3A_156, %ge3A : i32
        %convert_element_type3A_445 = arith.extui %ge3A_444 : i1 to i32
        %cond3A_446 = arith.constant 0 : i32
        %cond3A_447 = arith.cmpi ne, %convert_element_type3A_445, %cond3A_446 : i32
        scf.if %cond3A_447 {
          %dma_wait3A_459 = arith.constant 4 : i32
          %dma_wait3A_460 = arith.constant 0 : i32
          %dma_wait3A_461 = arith.constant 0 : i32
          %dma_wait3A_462 = tpu.memref_slice %arg6[%dma_wait3A_459, %dma_wait3A_460, %dma_wait3A_461] : memref<8x8x1024xf32, #tpu.memory_space<vmem>> -> memref<1x8x1024xf32, #tpu.memory_space<vmem>>
          %dma_wait3A_463 = tpu.memref_squeeze %dma_wait3A_462 : memref<1x8x1024xf32, #tpu.memory_space<vmem>> -> memref<8x1024xf32, #tpu.memory_space<vmem>>
          %dma_wait3A_464 = arith.constant 0 : i32
          %dma_wait3A_465 = tpu.memref_slice %arg4[%mul3A_2, %dma_wait3A_464] : memref<32768x1024xf32, #tpu.memory_space<hbm>> -> memref<8x1024xf32, #tpu.memory_space<hbm>>
          %dma_wait3A_466 = arith.constant 0 : i32
          %dma_wait3A_467 = tpu.memref_slice %arg4[%mul3A_2, %dma_wait3A_466] : memref<32768x1024xf32, #tpu.memory_space<hbm>> -> memref<8x1024xf32, #tpu.memory_space<hbm>>
          %dma_wait3A_468 = arith.constant 0 : i32
          %dma_wait3A_469 = arith.constant 0 : i32
          %dma_wait3A_470 = tpu.memref_slice %arg6[%dma_wait3A_459, %dma_wait3A_468, %dma_wait3A_469] : memref<8x8x1024xf32, #tpu.memory_space<vmem>> -> memref<1x8x1024xf32, #tpu.memory_space<vmem>>
          %dma_wait3A_471 = tpu.memref_squeeze %dma_wait3A_470 : memref<1x8x1024xf32, #tpu.memory_space<vmem>> -> memref<8x1024xf32, #tpu.memory_space<vmem>>
          tpu.wait_dma2 semaphore(%arg19 : memref<!tpu.dma_semaphore, #tpu.memory_space<semaphore_mem>>) src(%dma_wait3A_471 : memref<8x1024xf32, #tpu.memory_space<vmem>>) dst(%dma_wait3A_467 : memref<8x1024xf32, #tpu.memory_space<hbm>>)
        } else {
        }
        %mul3A_448 = arith.constant 8 : i32
        %mul3A_449 = arith.muli %add3A_156, %mul3A_448 : i32
        %dma_start3A_450 = arith.constant 4 : i32
        %dma_start3A_451 = arith.constant 0 : i32
        %dma_start3A_452 = arith.constant 0 : i32
        %dma_start3A_453 = tpu.memref_slice %arg6[%dma_start3A_450, %dma_start3A_451, %dma_start3A_452] : memref<8x8x1024xf32, #tpu.memory_space<vmem>> -> memref<1x8x1024xf32, #tpu.memory_space<vmem>>
        %dma_start3A_454 = tpu.memref_squeeze %dma_start3A_453 : memref<1x8x1024xf32, #tpu.memory_space<vmem>> -> memref<8x1024xf32, #tpu.memory_space<vmem>>
        %dma_start3A_455 = tpu.memref_slice %arg5[%mul3A_449] : memref<1024xi32, #tpu.memory_space<vmem>> -> memref<8xi32, #tpu.memory_space<vmem>>
        %dma_start3A_456 = arith.constant 0 : i32
        %dma_start3A_457 = arith.constant 0 : i32
        %dma_start3A_458 = tpu.memref_slice %arg3[%dma_start3A_456, %dma_start3A_457] : memref<8192x1024xf32, #tpu.memory_space<hbm>> -> memref<8192x1024xf32, #tpu.memory_space<hbm>>
        tpu.enqueue_indirect_dma source(%dma_start3A_458 : memref<8192x1024xf32, #tpu.memory_space<hbm>>) target(%dma_start3A_454 : memref<8x1024xf32, #tpu.memory_space<vmem>>) offsets(%dma_start3A_455 : memref<8xi32, #tpu.memory_space<vmem>>) semaphore(%arg11 : memref<!tpu.dma_semaphore, #tpu.memory_space<semaphore_mem>>)
      } else {
      }
      %dma_wait3A_159 = arith.constant 0 : i32
      %dma_wait3A_160 = arith.constant 0 : i32
      %dma_wait3A_161 = arith.constant 0 : i32
      %dma_wait3A_162 = tpu.memref_slice %arg6[%dma_wait3A_159, %dma_wait3A_160, %dma_wait3A_161] : memref<8x8x1024xf32, #tpu.memory_space<vmem>> -> memref<1x8x1024xf32, #tpu.memory_space<vmem>>
      %dma_wait3A_163 = tpu.memref_squeeze %dma_wait3A_162 : memref<1x8x1024xf32, #tpu.memory_space<vmem>> -> memref<8x1024xf32, #tpu.memory_space<vmem>>
      %dma_wait3A_164 = arith.constant 0 : i32
      %dma_wait3A_165 = tpu.memref_slice %arg5[%dma_wait3A_164] : memref<1024xi32, #tpu.memory_space<vmem>> -> memref<8xi32, #tpu.memory_space<vmem>>
      %dma_wait3A_166 = arith.constant 0 : i32
      %dma_wait3A_167 = arith.constant 0 : i32
      %dma_wait3A_168 = tpu.memref_slice %arg3[%dma_wait3A_166, %dma_wait3A_167] : memref<8192x1024xf32, #tpu.memory_space<hbm>> -> memref<8192x1024xf32, #tpu.memory_space<hbm>>
      tpu.wait_indirect_dma semaphore(%arg7 : memref<!tpu.dma_semaphore, #tpu.memory_space<semaphore_mem>>) src(%dma_wait3A_168 : memref<8192x1024xf32, #tpu.memory_space<hbm>>) dst(%dma_wait3A_163 : memref<8x1024xf32, #tpu.memory_space<vmem>>)
      %mul3A_169 = arith.constant 8 : i32
      %mul3A_170 = arith.muli %add3A_154, %mul3A_169 : i32
      %add3A_171 = arith.addi %mul3A_2, %mul3A_170 : i32
      %dma_start3A_172 = arith.constant 0 : i32
      %dma_start3A_173 = arith.constant 0 : i32
      %dma_start3A_174 = arith.constant 0 : i32
      %dma_start3A_175 = tpu.memref_slice %arg6[%dma_start3A_172, %dma_start3A_173, %dma_start3A_174] : memref<8x8x1024xf32, #tpu.memory_space<vmem>> -> memref<1x8x1024xf32, #tpu.memory_space<vmem>>
      %dma_start3A_176 = tpu.memref_squeeze %dma_start3A_175 : memref<1x8x1024xf32, #tpu.memory_space<vmem>> -> memref<8x1024xf32, #tpu.memory_space<vmem>>
      %dma_start3A_177 = arith.constant 0 : i32
      %dma_start3A_178 = tpu.memref_slice %arg4[%add3A_171, %dma_start3A_177] : memref<32768x1024xf32, #tpu.memory_space<hbm>> -> memref<8x1024xf32, #tpu.memory_space<hbm>>
      %dma_start3A_179 = arith.constant 0 : i32
      %dma_start3A_180 = tpu.memref_slice %arg4[%add3A_171, %dma_start3A_179] : memref<32768x1024xf32, #tpu.memory_space<hbm>> -> memref<8x1024xf32, #tpu.memory_space<hbm>>
      %dma_start3A_181 = arith.constant 0 : i32
      %dma_start3A_182 = arith.constant 0 : i32
      %dma_start3A_183 = tpu.memref_slice %arg6[%dma_start3A_172, %dma_start3A_181, %dma_start3A_182] : memref<8x8x1024xf32, #tpu.memory_space<vmem>> -> memref<1x8x1024xf32, #tpu.memory_space<vmem>>
      %dma_start3A_184 = tpu.memref_squeeze %dma_start3A_183 : memref<1x8x1024xf32, #tpu.memory_space<vmem>> -> memref<8x1024xf32, #tpu.memory_space<vmem>>
      tpu.enqueue_dma source(%dma_start3A_184 : memref<8x1024xf32, #tpu.memory_space<vmem>>) target(%dma_start3A_180 : memref<8x1024xf32, #tpu.memory_space<hbm>>) target_semaphore(%arg15 : memref<!tpu.dma_semaphore, #tpu.memory_space<semaphore_mem>>)
      %mul3A_185 = arith.constant 8 : i32
      %mul3A_186 = arith.muli %scan3A_150, %mul3A_185 : i32
      %add3A_187 = arith.constant 1 : i32
      %add3A_188 = arith.addi %mul3A_186, %add3A_187 : i32
      %add3A_189 = arith.constant 4 : i32
      %add3A_190 = arith.addi %add3A_188, %add3A_189 : i32
      %lt3A_191 = arith.constant 128 : i32
      %lt3A_192 = arith.cmpi slt, %add3A_190, %lt3A_191 : i32
      %convert_element_type3A_193 = arith.extui %lt3A_192 : i1 to i32
      %cond3A_194 = arith.constant 0 : i32
      %cond3A_195 = arith.cmpi ne, %convert_element_type3A_193, %cond3A_194 : i32
      scf.if %cond3A_195 {
        %ge3A = arith.constant 8 : i32
        %ge3A_444 = arith.cmpi sge, %add3A_190, %ge3A : i32
        %convert_element_type3A_445 = arith.extui %ge3A_444 : i1 to i32
        %cond3A_446 = arith.constant 0 : i32
        %cond3A_447 = arith.cmpi ne, %convert_element_type3A_445, %cond3A_446 : i32
        scf.if %cond3A_447 {
          %dma_wait3A_459 = arith.constant 5 : i32
          %dma_wait3A_460 = arith.constant 0 : i32
          %dma_wait3A_461 = arith.constant 0 : i32
          %dma_wait3A_462 = tpu.memref_slice %arg6[%dma_wait3A_459, %dma_wait3A_460, %dma_wait3A_461] : memref<8x8x1024xf32, #tpu.memory_space<vmem>> -> memref<1x8x1024xf32, #tpu.memory_space<vmem>>
          %dma_wait3A_463 = tpu.memref_squeeze %dma_wait3A_462 : memref<1x8x1024xf32, #tpu.memory_space<vmem>> -> memref<8x1024xf32, #tpu.memory_space<vmem>>
          %dma_wait3A_464 = arith.constant 0 : i32
          %dma_wait3A_465 = tpu.memref_slice %arg4[%mul3A_2, %dma_wait3A_464] : memref<32768x1024xf32, #tpu.memory_space<hbm>> -> memref<8x1024xf32, #tpu.memory_space<hbm>>
          %dma_wait3A_466 = arith.constant 0 : i32
          %dma_wait3A_467 = tpu.memref_slice %arg4[%mul3A_2, %dma_wait3A_466] : memref<32768x1024xf32, #tpu.memory_space<hbm>> -> memref<8x1024xf32, #tpu.memory_space<hbm>>
          %dma_wait3A_468 = arith.constant 0 : i32
          %dma_wait3A_469 = arith.constant 0 : i32
          %dma_wait3A_470 = tpu.memref_slice %arg6[%dma_wait3A_459, %dma_wait3A_468, %dma_wait3A_469] : memref<8x8x1024xf32, #tpu.memory_space<vmem>> -> memref<1x8x1024xf32, #tpu.memory_space<vmem>>
          %dma_wait3A_471 = tpu.memref_squeeze %dma_wait3A_470 : memref<1x8x1024xf32, #tpu.memory_space<vmem>> -> memref<8x1024xf32, #tpu.memory_space<vmem>>
          tpu.wait_dma2 semaphore(%arg20 : memref<!tpu.dma_semaphore, #tpu.memory_space<semaphore_mem>>) src(%dma_wait3A_471 : memref<8x1024xf32, #tpu.memory_space<vmem>>) dst(%dma_wait3A_467 : memref<8x1024xf32, #tpu.memory_space<hbm>>)
        } else {
        }
        %mul3A_448 = arith.constant 8 : i32
        %mul3A_449 = arith.muli %add3A_190, %mul3A_448 : i32
        %dma_start3A_450 = arith.constant 5 : i32
        %dma_start3A_451 = arith.constant 0 : i32
        %dma_start3A_452 = arith.constant 0 : i32
        %dma_start3A_453 = tpu.memref_slice %arg6[%dma_start3A_450, %dma_start3A_451, %dma_start3A_452] : memref<8x8x1024xf32, #tpu.memory_space<vmem>> -> memref<1x8x1024xf32, #tpu.memory_space<vmem>>
        %dma_start3A_454 = tpu.memref_squeeze %dma_start3A_453 : memref<1x8x1024xf32, #tpu.memory_space<vmem>> -> memref<8x1024xf32, #tpu.memory_space<vmem>>
        %dma_start3A_455 = tpu.memref_slice %arg5[%mul3A_449] : memref<1024xi32, #tpu.memory_space<vmem>> -> memref<8xi32, #tpu.memory_space<vmem>>
        %dma_start3A_456 = arith.constant 0 : i32
        %dma_start3A_457 = arith.constant 0 : i32
        %dma_start3A_458 = tpu.memref_slice %arg3[%dma_start3A_456, %dma_start3A_457] : memref<8192x1024xf32, #tpu.memory_space<hbm>> -> memref<8192x1024xf32, #tpu.memory_space<hbm>>
        tpu.enqueue_indirect_dma source(%dma_start3A_458 : memref<8192x1024xf32, #tpu.memory_space<hbm>>) target(%dma_start3A_454 : memref<8x1024xf32, #tpu.memory_space<vmem>>) offsets(%dma_start3A_455 : memref<8xi32, #tpu.memory_space<vmem>>) semaphore(%arg12 : memref<!tpu.dma_semaphore, #tpu.memory_space<semaphore_mem>>)
      } else {
      }
      %dma_wait3A_196 = arith.constant 1 : i32
      %dma_wait3A_197 = arith.constant 0 : i32
      %dma_wait3A_198 = arith.constant 0 : i32
      %dma_wait3A_199 = tpu.memref_slice %arg6[%dma_wait3A_196, %dma_wait3A_197, %dma_wait3A_198] : memref<8x8x1024xf32, #tpu.memory_space<vmem>> -> memref<1x8x1024xf32, #tpu.memory_space<vmem>>
      %dma_wait3A_200 = tpu.memref_squeeze %dma_wait3A_199 : memref<1x8x1024xf32, #tpu.memory_space<vmem>> -> memref<8x1024xf32, #tpu.memory_space<vmem>>
      %dma_wait3A_201 = arith.constant 0 : i32
      %dma_wait3A_202 = tpu.memref_slice %arg5[%dma_wait3A_201] : memref<1024xi32, #tpu.memory_space<vmem>> -> memref<8xi32, #tpu.memory_space<vmem>>
      %dma_wait3A_203 = arith.constant 0 : i32
      %dma_wait3A_204 = arith.constant 0 : i32
      %dma_wait3A_205 = tpu.memref_slice %arg3[%dma_wait3A_203, %dma_wait3A_204] : memref<8192x1024xf32, #tpu.memory_space<hbm>> -> memref<8192x1024xf32, #tpu.memory_space<hbm>>
      tpu.wait_indirect_dma semaphore(%arg8 : memref<!tpu.dma_semaphore, #tpu.memory_space<semaphore_mem>>) src(%dma_wait3A_205 : memref<8192x1024xf32, #tpu.memory_space<hbm>>) dst(%dma_wait3A_200 : memref<8x1024xf32, #tpu.memory_space<vmem>>)
      %mul3A_206 = arith.constant 8 : i32
      %mul3A_207 = arith.muli %add3A_188, %mul3A_206 : i32
      %add3A_208 = arith.addi %mul3A_2, %mul3A_207 : i32
      %dma_start3A_209 = arith.constant 1 : i32
      %dma_start3A_210 = arith.constant 0 : i32
      %dma_start3A_211 = arith.constant 0 : i32
      %dma_start3A_212 = tpu.memref_slice %arg6[%dma_start3A_209, %dma_start3A_210, %dma_start3A_211] : memref<8x8x1024xf32, #tpu.memory_space<vmem>> -> memref<1x8x1024xf32, #tpu.memory_space<vmem>>
      %dma_start3A_213 = tpu.memref_squeeze %dma_start3A_212 : memref<1x8x1024xf32, #tpu.memory_space<vmem>> -> memref<8x1024xf32, #tpu.memory_space<vmem>>
      %dma_start3A_214 = arith.constant 0 : i32
      %dma_start3A_215 = tpu.memref_slice %arg4[%add3A_208, %dma_start3A_214] : memref<32768x1024xf32, #tpu.memory_space<hbm>> -> memref<8x1024xf32, #tpu.memory_space<hbm>>
      %dma_start3A_216 = arith.constant 0 : i32
      %dma_start3A_217 = tpu.memref_slice %arg4[%add3A_208, %dma_start3A_216] : memref<32768x1024xf32, #tpu.memory_space<hbm>> -> memref<8x1024xf32, #tpu.memory_space<hbm>>
      %dma_start3A_218 = arith.constant 0 : i32
      %dma_start3A_219 = arith.constant 0 : i32
      %dma_start3A_220 = tpu.memref_slice %arg6[%dma_start3A_209, %dma_start3A_218, %dma_start3A_219] : memref<8x8x1024xf32, #tpu.memory_space<vmem>> -> memref<1x8x1024xf32, #tpu.memory_space<vmem>>
      %dma_start3A_221 = tpu.memref_squeeze %dma_start3A_220 : memref<1x8x1024xf32, #tpu.memory_space<vmem>> -> memref<8x1024xf32, #tpu.memory_space<vmem>>
      tpu.enqueue_dma source(%dma_start3A_221 : memref<8x1024xf32, #tpu.memory_space<vmem>>) target(%dma_start3A_217 : memref<8x1024xf32, #tpu.memory_space<hbm>>) target_semaphore(%arg16 : memref<!tpu.dma_semaphore, #tpu.memory_space<semaphore_mem>>)
      %mul3A_222 = arith.constant 8 : i32
      %mul3A_223 = arith.muli %scan3A_150, %mul3A_222 : i32
      %add3A_224 = arith.constant 2 : i32
      %add3A_225 = arith.addi %mul3A_223, %add3A_224 : i32
      %add3A_226 = arith.constant 4 : i32
      %add3A_227 = arith.addi %add3A_225, %add3A_226 : i32
      %lt3A_228 = arith.constant 128 : i32
      %lt3A_229 = arith.cmpi slt, %add3A_227, %lt3A_228 : i32
      %convert_element_type3A_230 = arith.extui %lt3A_229 : i1 to i32
      %cond3A_231 = arith.constant 0 : i32
      %cond3A_232 = arith.cmpi ne, %convert_element_type3A_230, %cond3A_231 : i32
      scf.if %cond3A_232 {
        %ge3A = arith.constant 8 : i32
        %ge3A_444 = arith.cmpi sge, %add3A_227, %ge3A : i32
        %convert_element_type3A_445 = arith.extui %ge3A_444 : i1 to i32
        %cond3A_446 = arith.constant 0 : i32
        %cond3A_447 = arith.cmpi ne, %convert_element_type3A_445, %cond3A_446 : i32
        scf.if %cond3A_447 {
          %dma_wait3A_459 = arith.constant 6 : i32
          %dma_wait3A_460 = arith.constant 0 : i32
          %dma_wait3A_461 = arith.constant 0 : i32
          %dma_wait3A_462 = tpu.memref_slice %arg6[%dma_wait3A_459, %dma_wait3A_460, %dma_wait3A_461] : memref<8x8x1024xf32, #tpu.memory_space<vmem>> -> memref<1x8x1024xf32, #tpu.memory_space<vmem>>
          %dma_wait3A_463 = tpu.memref_squeeze %dma_wait3A_462 : memref<1x8x1024xf32, #tpu.memory_space<vmem>> -> memref<8x1024xf32, #tpu.memory_space<vmem>>
          %dma_wait3A_464 = arith.constant 0 : i32
          %dma_wait3A_465 = tpu.memref_slice %arg4[%mul3A_2, %dma_wait3A_464] : memref<32768x1024xf32, #tpu.memory_space<hbm>> -> memref<8x1024xf32, #tpu.memory_space<hbm>>
          %dma_wait3A_466 = arith.constant 0 : i32
          %dma_wait3A_467 = tpu.memref_slice %arg4[%mul3A_2, %dma_wait3A_466] : memref<32768x1024xf32, #tpu.memory_space<hbm>> -> memref<8x1024xf32, #tpu.memory_space<hbm>>
          %dma_wait3A_468 = arith.constant 0 : i32
          %dma_wait3A_469 = arith.constant 0 : i32
          %dma_wait3A_470 = tpu.memref_slice %arg6[%dma_wait3A_459, %dma_wait3A_468, %dma_wait3A_469] : memref<8x8x1024xf32, #tpu.memory_space<vmem>> -> memref<1x8x1024xf32, #tpu.memory_space<vmem>>
          %dma_wait3A_471 = tpu.memref_squeeze %dma_wait3A_470 : memref<1x8x1024xf32, #tpu.memory_space<vmem>> -> memref<8x1024xf32, #tpu.memory_space<vmem>>
          tpu.wait_dma2 semaphore(%arg21 : memref<!tpu.dma_semaphore, #tpu.memory_space<semaphore_mem>>) src(%dma_wait3A_471 : memref<8x1024xf32, #tpu.memory_space<vmem>>) dst(%dma_wait3A_467 : memref<8x1024xf32, #tpu.memory_space<hbm>>)
        } else {
        }
        %mul3A_448 = arith.constant 8 : i32
        %mul3A_449 = arith.muli %add3A_227, %mul3A_448 : i32
        %dma_start3A_450 = arith.constant 6 : i32
        %dma_start3A_451 = arith.constant 0 : i32
        %dma_start3A_452 = arith.constant 0 : i32
        %dma_start3A_453 = tpu.memref_slice %arg6[%dma_start3A_450, %dma_start3A_451, %dma_start3A_452] : memref<8x8x1024xf32, #tpu.memory_space<vmem>> -> memref<1x8x1024xf32, #tpu.memory_space<vmem>>
        %dma_start3A_454 = tpu.memref_squeeze %dma_start3A_453 : memref<1x8x1024xf32, #tpu.memory_space<vmem>> -> memref<8x1024xf32, #tpu.memory_space<vmem>>
        %dma_start3A_455 = tpu.memref_slice %arg5[%mul3A_449] : memref<1024xi32, #tpu.memory_space<vmem>> -> memref<8xi32, #tpu.memory_space<vmem>>
        %dma_start3A_456 = arith.constant 0 : i32
        %dma_start3A_457 = arith.constant 0 : i32
        %dma_start3A_458 = tpu.memref_slice %arg3[%dma_start3A_456, %dma_start3A_457] : memref<8192x1024xf32, #tpu.memory_space<hbm>> -> memref<8192x1024xf32, #tpu.memory_space<hbm>>
        tpu.enqueue_indirect_dma source(%dma_start3A_458 : memref<8192x1024xf32, #tpu.memory_space<hbm>>) target(%dma_start3A_454 : memref<8x1024xf32, #tpu.memory_space<vmem>>) offsets(%dma_start3A_455 : memref<8xi32, #tpu.memory_space<vmem>>) semaphore(%arg13 : memref<!tpu.dma_semaphore, #tpu.memory_space<semaphore_mem>>)
      } else {
      }
      %dma_wait3A_233 = arith.constant 2 : i32
      %dma_wait3A_234 = arith.constant 0 : i32
      %dma_wait3A_235 = arith.constant 0 : i32
      %dma_wait3A_236 = tpu.memref_slice %arg6[%dma_wait3A_233, %dma_wait3A_234, %dma_wait3A_235] : memref<8x8x1024xf32, #tpu.memory_space<vmem>> -> memref<1x8x1024xf32, #tpu.memory_space<vmem>>
      %dma_wait3A_237 = tpu.memref_squeeze %dma_wait3A_236 : memref<1x8x1024xf32, #tpu.memory_space<vmem>> -> memref<8x1024xf32, #tpu.memory_space<vmem>>
      %dma_wait3A_238 = arith.constant 0 : i32
      %dma_wait3A_239 = tpu.memref_slice %arg5[%dma_wait3A_238] : memref<1024xi32, #tpu.memory_space<vmem>> -> memref<8xi32, #tpu.memory_space<vmem>>
      %dma_wait3A_240 = arith.constant 0 : i32
      %dma_wait3A_241 = arith.constant 0 : i32
      %dma_wait3A_242 = tpu.memref_slice %arg3[%dma_wait3A_240, %dma_wait3A_241] : memref<8192x1024xf32, #tpu.memory_space<hbm>> -> memref<8192x1024xf32, #tpu.memory_space<hbm>>
      tpu.wait_indirect_dma semaphore(%arg9 : memref<!tpu.dma_semaphore, #tpu.memory_space<semaphore_mem>>) src(%dma_wait3A_242 : memref<8192x1024xf32, #tpu.memory_space<hbm>>) dst(%dma_wait3A_237 : memref<8x1024xf32, #tpu.memory_space<vmem>>)
      %mul3A_243 = arith.constant 8 : i32
      %mul3A_244 = arith.muli %add3A_225, %mul3A_243 : i32
      %add3A_245 = arith.addi %mul3A_2, %mul3A_244 : i32
      %dma_start3A_246 = arith.constant 2 : i32
      %dma_start3A_247 = arith.constant 0 : i32
      %dma_start3A_248 = arith.constant 0 : i32
      %dma_start3A_249 = tpu.memref_slice %arg6[%dma_start3A_246, %dma_start3A_247, %dma_start3A_248] : memref<8x8x1024xf32, #tpu.memory_space<vmem>> -> memref<1x8x1024xf32, #tpu.memory_space<vmem>>
      %dma_start3A_250 = tpu.memref_squeeze %dma_start3A_249 : memref<1x8x1024xf32, #tpu.memory_space<vmem>> -> memref<8x1024xf32, #tpu.memory_space<vmem>>
      %dma_start3A_251 = arith.constant 0 : i32
      %dma_start3A_252 = tpu.memref_slice %arg4[%add3A_245, %dma_start3A_251] : memref<32768x1024xf32, #tpu.memory_space<hbm>> -> memref<8x1024xf32, #tpu.memory_space<hbm>>
      %dma_start3A_253 = arith.constant 0 : i32
      %dma_start3A_254 = tpu.memref_slice %arg4[%add3A_245, %dma_start3A_253] : memref<32768x1024xf32, #tpu.memory_space<hbm>> -> memref<8x1024xf32, #tpu.memory_space<hbm>>
      %dma_start3A_255 = arith.constant 0 : i32
      %dma_start3A_256 = arith.constant 0 : i32
      %dma_start3A_257 = tpu.memref_slice %arg6[%dma_start3A_246, %dma_start3A_255, %dma_start3A_256] : memref<8x8x1024xf32, #tpu.memory_space<vmem>> -> memref<1x8x1024xf32, #tpu.memory_space<vmem>>
      %dma_start3A_258 = tpu.memref_squeeze %dma_start3A_257 : memref<1x8x1024xf32, #tpu.memory_space<vmem>> -> memref<8x1024xf32, #tpu.memory_space<vmem>>
      tpu.enqueue_dma source(%dma_start3A_258 : memref<8x1024xf32, #tpu.memory_space<vmem>>) target(%dma_start3A_254 : memref<8x1024xf32, #tpu.memory_space<hbm>>) target_semaphore(%arg17 : memref<!tpu.dma_semaphore, #tpu.memory_space<semaphore_mem>>)
      %mul3A_259 = arith.constant 8 : i32
      %mul3A_260 = arith.muli %scan3A_150, %mul3A_259 : i32
      %add3A_261 = arith.constant 3 : i32
      %add3A_262 = arith.addi %mul3A_260, %add3A_261 : i32
      %add3A_263 = arith.constant 4 : i32
      %add3A_264 = arith.addi %add3A_262, %add3A_263 : i32
      %lt3A_265 = arith.constant 128 : i32
      %lt3A_266 = arith.cmpi slt, %add3A_264, %lt3A_265 : i32
      %convert_element_type3A_267 = arith.extui %lt3A_266 : i1 to i32
      %cond3A_268 = arith.constant 0 : i32
      %cond3A_269 = arith.cmpi ne, %convert_element_type3A_267, %cond3A_268 : i32
      scf.if %cond3A_269 {
        %ge3A = arith.constant 8 : i32
        %ge3A_444 = arith.cmpi sge, %add3A_264, %ge3A : i32
        %convert_element_type3A_445 = arith.extui %ge3A_444 : i1 to i32
        %cond3A_446 = arith.constant 0 : i32
        %cond3A_447 = arith.cmpi ne, %convert_element_type3A_445, %cond3A_446 : i32
        scf.if %cond3A_447 {
          %dma_wait3A_459 = arith.constant 7 : i32
          %dma_wait3A_460 = arith.constant 0 : i32
          %dma_wait3A_461 = arith.constant 0 : i32
          %dma_wait3A_462 = tpu.memref_slice %arg6[%dma_wait3A_459, %dma_wait3A_460, %dma_wait3A_461] : memref<8x8x1024xf32, #tpu.memory_space<vmem>> -> memref<1x8x1024xf32, #tpu.memory_space<vmem>>
          %dma_wait3A_463 = tpu.memref_squeeze %dma_wait3A_462 : memref<1x8x1024xf32, #tpu.memory_space<vmem>> -> memref<8x1024xf32, #tpu.memory_space<vmem>>
          %dma_wait3A_464 = arith.constant 0 : i32
          %dma_wait3A_465 = tpu.memref_slice %arg4[%mul3A_2, %dma_wait3A_464] : memref<32768x1024xf32, #tpu.memory_space<hbm>> -> memref<8x1024xf32, #tpu.memory_space<hbm>>
          %dma_wait3A_466 = arith.constant 0 : i32
          %dma_wait3A_467 = tpu.memref_slice %arg4[%mul3A_2, %dma_wait3A_466] : memref<32768x1024xf32, #tpu.memory_space<hbm>> -> memref<8x1024xf32, #tpu.memory_space<hbm>>
          %dma_wait3A_468 = arith.constant 0 : i32
          %dma_wait3A_469 = arith.constant 0 : i32
          %dma_wait3A_470 = tpu.memref_slice %arg6[%dma_wait3A_459, %dma_wait3A_468, %dma_wait3A_469] : memref<8x8x1024xf32, #tpu.memory_space<vmem>> -> memref<1x8x1024xf32, #tpu.memory_space<vmem>>
          %dma_wait3A_471 = tpu.memref_squeeze %dma_wait3A_470 : memref<1x8x1024xf32, #tpu.memory_space<vmem>> -> memref<8x1024xf32, #tpu.memory_space<vmem>>
          tpu.wait_dma2 semaphore(%arg22 : memref<!tpu.dma_semaphore, #tpu.memory_space<semaphore_mem>>) src(%dma_wait3A_471 : memref<8x1024xf32, #tpu.memory_space<vmem>>) dst(%dma_wait3A_467 : memref<8x1024xf32, #tpu.memory_space<hbm>>)
        } else {
        }
        %mul3A_448 = arith.constant 8 : i32
        %mul3A_449 = arith.muli %add3A_264, %mul3A_448 : i32
        %dma_start3A_450 = arith.constant 7 : i32
        %dma_start3A_451 = arith.constant 0 : i32
        %dma_start3A_452 = arith.constant 0 : i32
        %dma_start3A_453 = tpu.memref_slice %arg6[%dma_start3A_450, %dma_start3A_451, %dma_start3A_452] : memref<8x8x1024xf32, #tpu.memory_space<vmem>> -> memref<1x8x1024xf32, #tpu.memory_space<vmem>>
        %dma_start3A_454 = tpu.memref_squeeze %dma_start3A_453 : memref<1x8x1024xf32, #tpu.memory_space<vmem>> -> memref<8x1024xf32, #tpu.memory_space<vmem>>
        %dma_start3A_455 = tpu.memref_slice %arg5[%mul3A_449] : memref<1024xi32, #tpu.memory_space<vmem>> -> memref<8xi32, #tpu.memory_space<vmem>>
        %dma_start3A_456 = arith.constant 0 : i32
        %dma_start3A_457 = arith.constant 0 : i32
        %dma_start3A_458 = tpu.memref_slice %arg3[%dma_start3A_456, %dma_start3A_457] : memref<8192x1024xf32, #tpu.memory_space<hbm>> -> memref<8192x1024xf32, #tpu.memory_space<hbm>>
        tpu.enqueue_indirect_dma source(%dma_start3A_458 : memref<8192x1024xf32, #tpu.memory_space<hbm>>) target(%dma_start3A_454 : memref<8x1024xf32, #tpu.memory_space<vmem>>) offsets(%dma_start3A_455 : memref<8xi32, #tpu.memory_space<vmem>>) semaphore(%arg14 : memref<!tpu.dma_semaphore, #tpu.memory_space<semaphore_mem>>)
      } else {
      }
      %dma_wait3A_270 = arith.constant 3 : i32
      %dma_wait3A_271 = arith.constant 0 : i32
      %dma_wait3A_272 = arith.constant 0 : i32
      %dma_wait3A_273 = tpu.memref_slice %arg6[%dma_wait3A_270, %dma_wait3A_271, %dma_wait3A_272] : memref<8x8x1024xf32, #tpu.memory_space<vmem>> -> memref<1x8x1024xf32, #tpu.memory_space<vmem>>
      %dma_wait3A_274 = tpu.memref_squeeze %dma_wait3A_273 : memref<1x8x1024xf32, #tpu.memory_space<vmem>> -> memref<8x1024xf32, #tpu.memory_space<vmem>>
      %dma_wait3A_275 = arith.constant 0 : i32
      %dma_wait3A_276 = tpu.memref_slice %arg5[%dma_wait3A_275] : memref<1024xi32, #tpu.memory_space<vmem>> -> memref<8xi32, #tpu.memory_space<vmem>>
      %dma_wait3A_277 = arith.constant 0 : i32
      %dma_wait3A_278 = arith.constant 0 : i32
      %dma_wait3A_279 = tpu.memref_slice %arg3[%dma_wait3A_277, %dma_wait3A_278] : memref<8192x1024xf32, #tpu.memory_space<hbm>> -> memref<8192x1024xf32, #tpu.memory_space<hbm>>
      tpu.wait_indirect_dma semaphore(%arg10 : memref<!tpu.dma_semaphore, #tpu.memory_space<semaphore_mem>>) src(%dma_wait3A_279 : memref<8192x1024xf32, #tpu.memory_space<hbm>>) dst(%dma_wait3A_274 : memref<8x1024xf32, #tpu.memory_space<vmem>>)
      %mul3A_280 = arith.constant 8 : i32
      %mul3A_281 = arith.muli %add3A_262, %mul3A_280 : i32
      %add3A_282 = arith.addi %mul3A_2, %mul3A_281 : i32
      %dma_start3A_283 = arith.constant 3 : i32
      %dma_start3A_284 = arith.constant 0 : i32
      %dma_start3A_285 = arith.constant 0 : i32
      %dma_start3A_286 = tpu.memref_slice %arg6[%dma_start3A_283, %dma_start3A_284, %dma_start3A_285] : memref<8x8x1024xf32, #tpu.memory_space<vmem>> -> memref<1x8x1024xf32, #tpu.memory_space<vmem>>
      %dma_start3A_287 = tpu.memref_squeeze %dma_start3A_286 : memref<1x8x1024xf32, #tpu.memory_space<vmem>> -> memref<8x1024xf32, #tpu.memory_space<vmem>>
      %dma_start3A_288 = arith.constant 0 : i32
      %dma_start3A_289 = tpu.memref_slice %arg4[%add3A_282, %dma_start3A_288] : memref<32768x1024xf32, #tpu.memory_space<hbm>> -> memref<8x1024xf32, #tpu.memory_space<hbm>>
      %dma_start3A_290 = arith.constant 0 : i32
      %dma_start3A_291 = tpu.memref_slice %arg4[%add3A_282, %dma_start3A_290] : memref<32768x1024xf32, #tpu.memory_space<hbm>> -> memref<8x1024xf32, #tpu.memory_space<hbm>>
      %dma_start3A_292 = arith.constant 0 : i32
      %dma_start3A_293 = arith.constant 0 : i32
      %dma_start3A_294 = tpu.memref_slice %arg6[%dma_start3A_283, %dma_start3A_292, %dma_start3A_293] : memref<8x8x1024xf32, #tpu.memory_space<vmem>> -> memref<1x8x1024xf32, #tpu.memory_space<vmem>>
      %dma_start3A_295 = tpu.memref_squeeze %dma_start3A_294 : memref<1x8x1024xf32, #tpu.memory_space<vmem>> -> memref<8x1024xf32, #tpu.memory_space<vmem>>
      tpu.enqueue_dma source(%dma_start3A_295 : memref<8x1024xf32, #tpu.memory_space<vmem>>) target(%dma_start3A_291 : memref<8x1024xf32, #tpu.memory_space<hbm>>) target_semaphore(%arg18 : memref<!tpu.dma_semaphore, #tpu.memory_space<semaphore_mem>>)
      %mul3A_296 = arith.constant 8 : i32
      %mul3A_297 = arith.muli %scan3A_150, %mul3A_296 : i32
      %add3A_298 = arith.constant 4 : i32
      %add3A_299 = arith.addi %mul3A_297, %add3A_298 : i32
      %add3A_300 = arith.constant 4 : i32
      %add3A_301 = arith.addi %add3A_299, %add3A_300 : i32
      %lt3A_302 = arith.constant 128 : i32
      %lt3A_303 = arith.cmpi slt, %add3A_301, %lt3A_302 : i32
      %convert_element_type3A_304 = arith.extui %lt3A_303 : i1 to i32
      %cond3A_305 = arith.constant 0 : i32
      %cond3A_306 = arith.cmpi ne, %convert_element_type3A_304, %cond3A_305 : i32
      scf.if %cond3A_306 {
        %ge3A = arith.constant 8 : i32
        %ge3A_444 = arith.cmpi sge, %add3A_301, %ge3A : i32
        %convert_element_type3A_445 = arith.extui %ge3A_444 : i1 to i32
        %cond3A_446 = arith.constant 0 : i32
        %cond3A_447 = arith.cmpi ne, %convert_element_type3A_445, %cond3A_446 : i32
        scf.if %cond3A_447 {
          %dma_wait3A_459 = arith.constant 0 : i32
          %dma_wait3A_460 = arith.constant 0 : i32
          %dma_wait3A_461 = arith.constant 0 : i32
          %dma_wait3A_462 = tpu.memref_slice %arg6[%dma_wait3A_459, %dma_wait3A_460, %dma_wait3A_461] : memref<8x8x1024xf32, #tpu.memory_space<vmem>> -> memref<1x8x1024xf32, #tpu.memory_space<vmem>>
          %dma_wait3A_463 = tpu.memref_squeeze %dma_wait3A_462 : memref<1x8x1024xf32, #tpu.memory_space<vmem>> -> memref<8x1024xf32, #tpu.memory_space<vmem>>
          %dma_wait3A_464 = arith.constant 0 : i32
          %dma_wait3A_465 = tpu.memref_slice %arg4[%mul3A_2, %dma_wait3A_464] : memref<32768x1024xf32, #tpu.memory_space<hbm>> -> memref<8x1024xf32, #tpu.memory_space<hbm>>
          %dma_wait3A_466 = arith.constant 0 : i32
          %dma_wait3A_467 = tpu.memref_slice %arg4[%mul3A_2, %dma_wait3A_466] : memref<32768x1024xf32, #tpu.memory_space<hbm>> -> memref<8x1024xf32, #tpu.memory_space<hbm>>
          %dma_wait3A_468 = arith.constant 0 : i32
          %dma_wait3A_469 = arith.constant 0 : i32
          %dma_wait3A_470 = tpu.memref_slice %arg6[%dma_wait3A_459, %dma_wait3A_468, %dma_wait3A_469] : memref<8x8x1024xf32, #tpu.memory_space<vmem>> -> memref<1x8x1024xf32, #tpu.memory_space<vmem>>
          %dma_wait3A_471 = tpu.memref_squeeze %dma_wait3A_470 : memref<1x8x1024xf32, #tpu.memory_space<vmem>> -> memref<8x1024xf32, #tpu.memory_space<vmem>>
          tpu.wait_dma2 semaphore(%arg15 : memref<!tpu.dma_semaphore, #tpu.memory_space<semaphore_mem>>) src(%dma_wait3A_471 : memref<8x1024xf32, #tpu.memory_space<vmem>>) dst(%dma_wait3A_467 : memref<8x1024xf32, #tpu.memory_space<hbm>>)
        } else {
        }
        %mul3A_448 = arith.constant 8 : i32
        %mul3A_449 = arith.muli %add3A_301, %mul3A_448 : i32
        %dma_start3A_450 = arith.constant 0 : i32
        %dma_start3A_451 = arith.constant 0 : i32
        %dma_start3A_452 = arith.constant 0 : i32
        %dma_start3A_453 = tpu.memref_slice %arg6[%dma_start3A_450, %dma_start3A_451, %dma_start3A_452] : memref<8x8x1024xf32, #tpu.memory_space<vmem>> -> memref<1x8x1024xf32, #tpu.memory_space<vmem>>
        %dma_start3A_454 = tpu.memref_squeeze %dma_start3A_453 : memref<1x8x1024xf32, #tpu.memory_space<vmem>> -> memref<8x1024xf32, #tpu.memory_space<vmem>>
        %dma_start3A_455 = tpu.memref_slice %arg5[%mul3A_449] : memref<1024xi32, #tpu.memory_space<vmem>> -> memref<8xi32, #tpu.memory_space<vmem>>
        %dma_start3A_456 = arith.constant 0 : i32
        %dma_start3A_457 = arith.constant 0 : i32
        %dma_start3A_458 = tpu.memref_slice %arg3[%dma_start3A_456, %dma_start3A_457] : memref<8192x1024xf32, #tpu.memory_space<hbm>> -> memref<8192x1024xf32, #tpu.memory_space<hbm>>
        tpu.enqueue_indirect_dma source(%dma_start3A_458 : memref<8192x1024xf32, #tpu.memory_space<hbm>>) target(%dma_start3A_454 : memref<8x1024xf32, #tpu.memory_space<vmem>>) offsets(%dma_start3A_455 : memref<8xi32, #tpu.memory_space<vmem>>) semaphore(%arg7 : memref<!tpu.dma_semaphore, #tpu.memory_space<semaphore_mem>>)
      } else {
      }
      %dma_wait3A_307 = arith.constant 4 : i32
      %dma_wait3A_308 = arith.constant 0 : i32
      %dma_wait3A_309 = arith.constant 0 : i32
      %dma_wait3A_310 = tpu.memref_slice %arg6[%dma_wait3A_307, %dma_wait3A_308, %dma_wait3A_309] : memref<8x8x1024xf32, #tpu.memory_space<vmem>> -> memref<1x8x1024xf32, #tpu.memory_space<vmem>>
      %dma_wait3A_311 = tpu.memref_squeeze %dma_wait3A_310 : memref<1x8x1024xf32, #tpu.memory_space<vmem>> -> memref<8x1024xf32, #tpu.memory_space<vmem>>
      %dma_wait3A_312 = arith.constant 0 : i32
      %dma_wait3A_313 = tpu.memref_slice %arg5[%dma_wait3A_312] : memref<1024xi32, #tpu.memory_space<vmem>> -> memref<8xi32, #tpu.memory_space<vmem>>
      %dma_wait3A_314 = arith.constant 0 : i32
      %dma_wait3A_315 = arith.constant 0 : i32
      %dma_wait3A_316 = tpu.memref_slice %arg3[%dma_wait3A_314, %dma_wait3A_315] : memref<8192x1024xf32, #tpu.memory_space<hbm>> -> memref<8192x1024xf32, #tpu.memory_space<hbm>>
      tpu.wait_indirect_dma semaphore(%arg11 : memref<!tpu.dma_semaphore, #tpu.memory_space<semaphore_mem>>) src(%dma_wait3A_316 : memref<8192x1024xf32, #tpu.memory_space<hbm>>) dst(%dma_wait3A_311 : memref<8x1024xf32, #tpu.memory_space<vmem>>)
      %mul3A_317 = arith.constant 8 : i32
      %mul3A_318 = arith.muli %add3A_299, %mul3A_317 : i32
      %add3A_319 = arith.addi %mul3A_2, %mul3A_318 : i32
      %dma_start3A_320 = arith.constant 4 : i32
      %dma_start3A_321 = arith.constant 0 : i32
      %dma_start3A_322 = arith.constant 0 : i32
      %dma_start3A_323 = tpu.memref_slice %arg6[%dma_start3A_320, %dma_start3A_321, %dma_start3A_322] : memref<8x8x1024xf32, #tpu.memory_space<vmem>> -> memref<1x8x1024xf32, #tpu.memory_space<vmem>>
      %dma_start3A_324 = tpu.memref_squeeze %dma_start3A_323 : memref<1x8x1024xf32, #tpu.memory_space<vmem>> -> memref<8x1024xf32, #tpu.memory_space<vmem>>
      %dma_start3A_325 = arith.constant 0 : i32
      %dma_start3A_326 = tpu.memref_slice %arg4[%add3A_319, %dma_start3A_325] : memref<32768x1024xf32, #tpu.memory_space<hbm>> -> memref<8x1024xf32, #tpu.memory_space<hbm>>
      %dma_start3A_327 = arith.constant 0 : i32
      %dma_start3A_328 = tpu.memref_slice %arg4[%add3A_319, %dma_start3A_327] : memref<32768x1024xf32, #tpu.memory_space<hbm>> -> memref<8x1024xf32, #tpu.memory_space<hbm>>
      %dma_start3A_329 = arith.constant 0 : i32
      %dma_start3A_330 = arith.constant 0 : i32
      %dma_start3A_331 = tpu.memref_slice %arg6[%dma_start3A_320, %dma_start3A_329, %dma_start3A_330] : memref<8x8x1024xf32, #tpu.memory_space<vmem>> -> memref<1x8x1024xf32, #tpu.memory_space<vmem>>
      %dma_start3A_332 = tpu.memref_squeeze %dma_start3A_331 : memref<1x8x1024xf32, #tpu.memory_space<vmem>> -> memref<8x1024xf32, #tpu.memory_space<vmem>>
      tpu.enqueue_dma source(%dma_start3A_332 : memref<8x1024xf32, #tpu.memory_space<vmem>>) target(%dma_start3A_328 : memref<8x1024xf32, #tpu.memory_space<hbm>>) target_semaphore(%arg19 : memref<!tpu.dma_semaphore, #tpu.memory_space<semaphore_mem>>)
      %mul3A_333 = arith.constant 8 : i32
      %mul3A_334 = arith.muli %scan3A_150, %mul3A_333 : i32
      %add3A_335 = arith.constant 5 : i32
      %add3A_336 = arith.addi %mul3A_334, %add3A_335 : i32
      %add3A_337 = arith.constant 4 : i32
      %add3A_338 = arith.addi %add3A_336, %add3A_337 : i32
      %lt3A_339 = arith.constant 128 : i32
      %lt3A_340 = arith.cmpi slt, %add3A_338, %lt3A_339 : i32
      %convert_element_type3A_341 = arith.extui %lt3A_340 : i1 to i32
      %cond3A_342 = arith.constant 0 : i32
      %cond3A_343 = arith.cmpi ne, %convert_element_type3A_341, %cond3A_342 : i32
      scf.if %cond3A_343 {
        %ge3A = arith.constant 8 : i32
        %ge3A_444 = arith.cmpi sge, %add3A_338, %ge3A : i32
        %convert_element_type3A_445 = arith.extui %ge3A_444 : i1 to i32
        %cond3A_446 = arith.constant 0 : i32
        %cond3A_447 = arith.cmpi ne, %convert_element_type3A_445, %cond3A_446 : i32
        scf.if %cond3A_447 {
          %dma_wait3A_459 = arith.constant 1 : i32
          %dma_wait3A_460 = arith.constant 0 : i32
          %dma_wait3A_461 = arith.constant 0 : i32
          %dma_wait3A_462 = tpu.memref_slice %arg6[%dma_wait3A_459, %dma_wait3A_460, %dma_wait3A_461] : memref<8x8x1024xf32, #tpu.memory_space<vmem>> -> memref<1x8x1024xf32, #tpu.memory_space<vmem>>
          %dma_wait3A_463 = tpu.memref_squeeze %dma_wait3A_462 : memref<1x8x1024xf32, #tpu.memory_space<vmem>> -> memref<8x1024xf32, #tpu.memory_space<vmem>>
          %dma_wait3A_464 = arith.constant 0 : i32
          %dma_wait3A_465 = tpu.memref_slice %arg4[%mul3A_2, %dma_wait3A_464] : memref<32768x1024xf32, #tpu.memory_space<hbm>> -> memref<8x1024xf32, #tpu.memory_space<hbm>>
          %dma_wait3A_466 = arith.constant 0 : i32
          %dma_wait3A_467 = tpu.memref_slice %arg4[%mul3A_2, %dma_wait3A_466] : memref<32768x1024xf32, #tpu.memory_space<hbm>> -> memref<8x1024xf32, #tpu.memory_space<hbm>>
          %dma_wait3A_468 = arith.constant 0 : i32
          %dma_wait3A_469 = arith.constant 0 : i32
          %dma_wait3A_470 = tpu.memref_slice %arg6[%dma_wait3A_459, %dma_wait3A_468, %dma_wait3A_469] : memref<8x8x1024xf32, #tpu.memory_space<vmem>> -> memref<1x8x1024xf32, #tpu.memory_space<vmem>>
          %dma_wait3A_471 = tpu.memref_squeeze %dma_wait3A_470 : memref<1x8x1024xf32, #tpu.memory_space<vmem>> -> memref<8x1024xf32, #tpu.memory_space<vmem>>
          tpu.wait_dma2 semaphore(%arg16 : memref<!tpu.dma_semaphore, #tpu.memory_space<semaphore_mem>>) src(%dma_wait3A_471 : memref<8x1024xf32, #tpu.memory_space<vmem>>) dst(%dma_wait3A_467 : memref<8x1024xf32, #tpu.memory_space<hbm>>)
        } else {
        }
        %mul3A_448 = arith.constant 8 : i32
        %mul3A_449 = arith.muli %add3A_338, %mul3A_448 : i32
        %dma_start3A_450 = arith.constant 1 : i32
        %dma_start3A_451 = arith.constant 0 : i32
        %dma_start3A_452 = arith.constant 0 : i32
        %dma_start3A_453 = tpu.memref_slice %arg6[%dma_start3A_450, %dma_start3A_451, %dma_start3A_452] : memref<8x8x1024xf32, #tpu.memory_space<vmem>> -> memref<1x8x1024xf32, #tpu.memory_space<vmem>>
        %dma_start3A_454 = tpu.memref_squeeze %dma_start3A_453 : memref<1x8x1024xf32, #tpu.memory_space<vmem>> -> memref<8x1024xf32, #tpu.memory_space<vmem>>
        %dma_start3A_455 = tpu.memref_slice %arg5[%mul3A_449] : memref<1024xi32, #tpu.memory_space<vmem>> -> memref<8xi32, #tpu.memory_space<vmem>>
        %dma_start3A_456 = arith.constant 0 : i32
        %dma_start3A_457 = arith.constant 0 : i32
        %dma_start3A_458 = tpu.memref_slice %arg3[%dma_start3A_456, %dma_start3A_457] : memref<8192x1024xf32, #tpu.memory_space<hbm>> -> memref<8192x1024xf32, #tpu.memory_space<hbm>>
        tpu.enqueue_indirect_dma source(%dma_start3A_458 : memref<8192x1024xf32, #tpu.memory_space<hbm>>) target(%dma_start3A_454 : memref<8x1024xf32, #tpu.memory_space<vmem>>) offsets(%dma_start3A_455 : memref<8xi32, #tpu.memory_space<vmem>>) semaphore(%arg8 : memref<!tpu.dma_semaphore, #tpu.memory_space<semaphore_mem>>)
      } else {
      }
      %dma_wait3A_344 = arith.constant 5 : i32
      %dma_wait3A_345 = arith.constant 0 : i32
      %dma_wait3A_346 = arith.constant 0 : i32
      %dma_wait3A_347 = tpu.memref_slice %arg6[%dma_wait3A_344, %dma_wait3A_345, %dma_wait3A_346] : memref<8x8x1024xf32, #tpu.memory_space<vmem>> -> memref<1x8x1024xf32, #tpu.memory_space<vmem>>
      %dma_wait3A_348 = tpu.memref_squeeze %dma_wait3A_347 : memref<1x8x1024xf32, #tpu.memory_space<vmem>> -> memref<8x1024xf32, #tpu.memory_space<vmem>>
      %dma_wait3A_349 = arith.constant 0 : i32
      %dma_wait3A_350 = tpu.memref_slice %arg5[%dma_wait3A_349] : memref<1024xi32, #tpu.memory_space<vmem>> -> memref<8xi32, #tpu.memory_space<vmem>>
      %dma_wait3A_351 = arith.constant 0 : i32
      %dma_wait3A_352 = arith.constant 0 : i32
      %dma_wait3A_353 = tpu.memref_slice %arg3[%dma_wait3A_351, %dma_wait3A_352] : memref<8192x1024xf32, #tpu.memory_space<hbm>> -> memref<8192x1024xf32, #tpu.memory_space<hbm>>
      tpu.wait_indirect_dma semaphore(%arg12 : memref<!tpu.dma_semaphore, #tpu.memory_space<semaphore_mem>>) src(%dma_wait3A_353 : memref<8192x1024xf32, #tpu.memory_space<hbm>>) dst(%dma_wait3A_348 : memref<8x1024xf32, #tpu.memory_space<vmem>>)
      %mul3A_354 = arith.constant 8 : i32
      %mul3A_355 = arith.muli %add3A_336, %mul3A_354 : i32
      %add3A_356 = arith.addi %mul3A_2, %mul3A_355 : i32
      %dma_start3A_357 = arith.constant 5 : i32
      %dma_start3A_358 = arith.constant 0 : i32
      %dma_start3A_359 = arith.constant 0 : i32
      %dma_start3A_360 = tpu.memref_slice %arg6[%dma_start3A_357, %dma_start3A_358, %dma_start3A_359] : memref<8x8x1024xf32, #tpu.memory_space<vmem>> -> memref<1x8x1024xf32, #tpu.memory_space<vmem>>
      %dma_start3A_361 = tpu.memref_squeeze %dma_start3A_360 : memref<1x8x1024xf32, #tpu.memory_space<vmem>> -> memref<8x1024xf32, #tpu.memory_space<vmem>>
      %dma_start3A_362 = arith.constant 0 : i32
      %dma_start3A_363 = tpu.memref_slice %arg4[%add3A_356, %dma_start3A_362] : memref<32768x1024xf32, #tpu.memory_space<hbm>> -> memref<8x1024xf32, #tpu.memory_space<hbm>>
      %dma_start3A_364 = arith.constant 0 : i32
      %dma_start3A_365 = tpu.memref_slice %arg4[%add3A_356, %dma_start3A_364] : memref<32768x1024xf32, #tpu.memory_space<hbm>> -> memref<8x1024xf32, #tpu.memory_space<hbm>>
      %dma_start3A_366 = arith.constant 0 : i32
      %dma_start3A_367 = arith.constant 0 : i32
      %dma_start3A_368 = tpu.memref_slice %arg6[%dma_start3A_357, %dma_start3A_366, %dma_start3A_367] : memref<8x8x1024xf32, #tpu.memory_space<vmem>> -> memref<1x8x1024xf32, #tpu.memory_space<vmem>>
      %dma_start3A_369 = tpu.memref_squeeze %dma_start3A_368 : memref<1x8x1024xf32, #tpu.memory_space<vmem>> -> memref<8x1024xf32, #tpu.memory_space<vmem>>
      tpu.enqueue_dma source(%dma_start3A_369 : memref<8x1024xf32, #tpu.memory_space<vmem>>) target(%dma_start3A_365 : memref<8x1024xf32, #tpu.memory_space<hbm>>) target_semaphore(%arg20 : memref<!tpu.dma_semaphore, #tpu.memory_space<semaphore_mem>>)
      %mul3A_370 = arith.constant 8 : i32
      %mul3A_371 = arith.muli %scan3A_150, %mul3A_370 : i32
      %add3A_372 = arith.constant 6 : i32
      %add3A_373 = arith.addi %mul3A_371, %add3A_372 : i32
      %add3A_374 = arith.constant 4 : i32
      %add3A_375 = arith.addi %add3A_373, %add3A_374 : i32
      %lt3A_376 = arith.constant 128 : i32
      %lt3A_377 = arith.cmpi slt, %add3A_375, %lt3A_376 : i32
      %convert_element_type3A_378 = arith.extui %lt3A_377 : i1 to i32
      %cond3A_379 = arith.constant 0 : i32
      %cond3A_380 = arith.cmpi ne, %convert_element_type3A_378, %cond3A_379 : i32
      scf.if %cond3A_380 {
        %ge3A = arith.constant 8 : i32
        %ge3A_444 = arith.cmpi sge, %add3A_375, %ge3A : i32
        %convert_element_type3A_445 = arith.extui %ge3A_444 : i1 to i32
        %cond3A_446 = arith.constant 0 : i32
        %cond3A_447 = arith.cmpi ne, %convert_element_type3A_445, %cond3A_446 : i32
        scf.if %cond3A_447 {
          %dma_wait3A_459 = arith.constant 2 : i32
          %dma_wait3A_460 = arith.constant 0 : i32
          %dma_wait3A_461 = arith.constant 0 : i32
          %dma_wait3A_462 = tpu.memref_slice %arg6[%dma_wait3A_459, %dma_wait3A_460, %dma_wait3A_461] : memref<8x8x1024xf32, #tpu.memory_space<vmem>> -> memref<1x8x1024xf32, #tpu.memory_space<vmem>>
          %dma_wait3A_463 = tpu.memref_squeeze %dma_wait3A_462 : memref<1x8x1024xf32, #tpu.memory_space<vmem>> -> memref<8x1024xf32, #tpu.memory_space<vmem>>
          %dma_wait3A_464 = arith.constant 0 : i32
          %dma_wait3A_465 = tpu.memref_slice %arg4[%mul3A_2, %dma_wait3A_464] : memref<32768x1024xf32, #tpu.memory_space<hbm>> -> memref<8x1024xf32, #tpu.memory_space<hbm>>
          %dma_wait3A_466 = arith.constant 0 : i32
          %dma_wait3A_467 = tpu.memref_slice %arg4[%mul3A_2, %dma_wait3A_466] : memref<32768x1024xf32, #tpu.memory_space<hbm>> -> memref<8x1024xf32, #tpu.memory_space<hbm>>
          %dma_wait3A_468 = arith.constant 0 : i32
          %dma_wait3A_469 = arith.constant 0 : i32
          %dma_wait3A_470 = tpu.memref_slice %arg6[%dma_wait3A_459, %dma_wait3A_468, %dma_wait3A_469] : memref<8x8x1024xf32, #tpu.memory_space<vmem>> -> memref<1x8x1024xf32, #tpu.memory_space<vmem>>
          %dma_wait3A_471 = tpu.memref_squeeze %dma_wait3A_470 : memref<1x8x1024xf32, #tpu.memory_space<vmem>> -> memref<8x1024xf32, #tpu.memory_space<vmem>>
          tpu.wait_dma2 semaphore(%arg17 : memref<!tpu.dma_semaphore, #tpu.memory_space<semaphore_mem>>) src(%dma_wait3A_471 : memref<8x1024xf32, #tpu.memory_space<vmem>>) dst(%dma_wait3A_467 : memref<8x1024xf32, #tpu.memory_space<hbm>>)
        } else {
        }
        %mul3A_448 = arith.constant 8 : i32
        %mul3A_449 = arith.muli %add3A_375, %mul3A_448 : i32
        %dma_start3A_450 = arith.constant 2 : i32
        %dma_start3A_451 = arith.constant 0 : i32
        %dma_start3A_452 = arith.constant 0 : i32
        %dma_start3A_453 = tpu.memref_slice %arg6[%dma_start3A_450, %dma_start3A_451, %dma_start3A_452] : memref<8x8x1024xf32, #tpu.memory_space<vmem>> -> memref<1x8x1024xf32, #tpu.memory_space<vmem>>
        %dma_start3A_454 = tpu.memref_squeeze %dma_start3A_453 : memref<1x8x1024xf32, #tpu.memory_space<vmem>> -> memref<8x1024xf32, #tpu.memory_space<vmem>>
        %dma_start3A_455 = tpu.memref_slice %arg5[%mul3A_449] : memref<1024xi32, #tpu.memory_space<vmem>> -> memref<8xi32, #tpu.memory_space<vmem>>
        %dma_start3A_456 = arith.constant 0 : i32
        %dma_start3A_457 = arith.constant 0 : i32
        %dma_start3A_458 = tpu.memref_slice %arg3[%dma_start3A_456, %dma_start3A_457] : memref<8192x1024xf32, #tpu.memory_space<hbm>> -> memref<8192x1024xf32, #tpu.memory_space<hbm>>
        tpu.enqueue_indirect_dma source(%dma_start3A_458 : memref<8192x1024xf32, #tpu.memory_space<hbm>>) target(%dma_start3A_454 : memref<8x1024xf32, #tpu.memory_space<vmem>>) offsets(%dma_start3A_455 : memref<8xi32, #tpu.memory_space<vmem>>) semaphore(%arg9 : memref<!tpu.dma_semaphore, #tpu.memory_space<semaphore_mem>>)
      } else {
      }
      %dma_wait3A_381 = arith.constant 6 : i32
      %dma_wait3A_382 = arith.constant 0 : i32
      %dma_wait3A_383 = arith.constant 0 : i32
      %dma_wait3A_384 = tpu.memref_slice %arg6[%dma_wait3A_381, %dma_wait3A_382, %dma_wait3A_383] : memref<8x8x1024xf32, #tpu.memory_space<vmem>> -> memref<1x8x1024xf32, #tpu.memory_space<vmem>>
      %dma_wait3A_385 = tpu.memref_squeeze %dma_wait3A_384 : memref<1x8x1024xf32, #tpu.memory_space<vmem>> -> memref<8x1024xf32, #tpu.memory_space<vmem>>
      %dma_wait3A_386 = arith.constant 0 : i32
      %dma_wait3A_387 = tpu.memref_slice %arg5[%dma_wait3A_386] : memref<1024xi32, #tpu.memory_space<vmem>> -> memref<8xi32, #tpu.memory_space<vmem>>
      %dma_wait3A_388 = arith.constant 0 : i32
      %dma_wait3A_389 = arith.constant 0 : i32
      %dma_wait3A_390 = tpu.memref_slice %arg3[%dma_wait3A_388, %dma_wait3A_389] : memref<8192x1024xf32, #tpu.memory_space<hbm>> -> memref<8192x1024xf32, #tpu.memory_space<hbm>>
      tpu.wait_indirect_dma semaphore(%arg13 : memref<!tpu.dma_semaphore, #tpu.memory_space<semaphore_mem>>) src(%dma_wait3A_390 : memref<8192x1024xf32, #tpu.memory_space<hbm>>) dst(%dma_wait3A_385 : memref<8x1024xf32, #tpu.memory_space<vmem>>)
      %mul3A_391 = arith.constant 8 : i32
      %mul3A_392 = arith.muli %add3A_373, %mul3A_391 : i32
      %add3A_393 = arith.addi %mul3A_2, %mul3A_392 : i32
      %dma_start3A_394 = arith.constant 6 : i32
      %dma_start3A_395 = arith.constant 0 : i32
      %dma_start3A_396 = arith.constant 0 : i32
      %dma_start3A_397 = tpu.memref_slice %arg6[%dma_start3A_394, %dma_start3A_395, %dma_start3A_396] : memref<8x8x1024xf32, #tpu.memory_space<vmem>> -> memref<1x8x1024xf32, #tpu.memory_space<vmem>>
      %dma_start3A_398 = tpu.memref_squeeze %dma_start3A_397 : memref<1x8x1024xf32, #tpu.memory_space<vmem>> -> memref<8x1024xf32, #tpu.memory_space<vmem>>
      %dma_start3A_399 = arith.constant 0 : i32
      %dma_start3A_400 = tpu.memref_slice %arg4[%add3A_393, %dma_start3A_399] : memref<32768x1024xf32, #tpu.memory_space<hbm>> -> memref<8x1024xf32, #tpu.memory_space<hbm>>
      %dma_start3A_401 = arith.constant 0 : i32
      %dma_start3A_402 = tpu.memref_slice %arg4[%add3A_393, %dma_start3A_401] : memref<32768x1024xf32, #tpu.memory_space<hbm>> -> memref<8x1024xf32, #tpu.memory_space<hbm>>
      %dma_start3A_403 = arith.constant 0 : i32
      %dma_start3A_404 = arith.constant 0 : i32
      %dma_start3A_405 = tpu.memref_slice %arg6[%dma_start3A_394, %dma_start3A_403, %dma_start3A_404] : memref<8x8x1024xf32, #tpu.memory_space<vmem>> -> memref<1x8x1024xf32, #tpu.memory_space<vmem>>
      %dma_start3A_406 = tpu.memref_squeeze %dma_start3A_405 : memref<1x8x1024xf32, #tpu.memory_space<vmem>> -> memref<8x1024xf32, #tpu.memory_space<vmem>>
      tpu.enqueue_dma source(%dma_start3A_406 : memref<8x1024xf32, #tpu.memory_space<vmem>>) target(%dma_start3A_402 : memref<8x1024xf32, #tpu.memory_space<hbm>>) target_semaphore(%arg21 : memref<!tpu.dma_semaphore, #tpu.memory_space<semaphore_mem>>)
      %mul3A_407 = arith.constant 8 : i32
      %mul3A_408 = arith.muli %scan3A_150, %mul3A_407 : i32
      %add3A_409 = arith.constant 7 : i32
      %add3A_410 = arith.addi %mul3A_408, %add3A_409 : i32
      %add3A_411 = arith.constant 4 : i32
      %add3A_412 = arith.addi %add3A_410, %add3A_411 : i32
      %lt3A_413 = arith.constant 128 : i32
      %lt3A_414 = arith.cmpi slt, %add3A_412, %lt3A_413 : i32
      %convert_element_type3A_415 = arith.extui %lt3A_414 : i1 to i32
      %cond3A_416 = arith.constant 0 : i32
      %cond3A_417 = arith.cmpi ne, %convert_element_type3A_415, %cond3A_416 : i32
      scf.if %cond3A_417 {
        %ge3A = arith.constant 8 : i32
        %ge3A_444 = arith.cmpi sge, %add3A_412, %ge3A : i32
        %convert_element_type3A_445 = arith.extui %ge3A_444 : i1 to i32
        %cond3A_446 = arith.constant 0 : i32
        %cond3A_447 = arith.cmpi ne, %convert_element_type3A_445, %cond3A_446 : i32
        scf.if %cond3A_447 {
          %dma_wait3A_459 = arith.constant 3 : i32
          %dma_wait3A_460 = arith.constant 0 : i32
          %dma_wait3A_461 = arith.constant 0 : i32
          %dma_wait3A_462 = tpu.memref_slice %arg6[%dma_wait3A_459, %dma_wait3A_460, %dma_wait3A_461] : memref<8x8x1024xf32, #tpu.memory_space<vmem>> -> memref<1x8x1024xf32, #tpu.memory_space<vmem>>
          %dma_wait3A_463 = tpu.memref_squeeze %dma_wait3A_462 : memref<1x8x1024xf32, #tpu.memory_space<vmem>> -> memref<8x1024xf32, #tpu.memory_space<vmem>>
          %dma_wait3A_464 = arith.constant 0 : i32
          %dma_wait3A_465 = tpu.memref_slice %arg4[%mul3A_2, %dma_wait3A_464] : memref<32768x1024xf32, #tpu.memory_space<hbm>> -> memref<8x1024xf32, #tpu.memory_space<hbm>>
          %dma_wait3A_466 = arith.constant 0 : i32
          %dma_wait3A_467 = tpu.memref_slice %arg4[%mul3A_2, %dma_wait3A_466] : memref<32768x1024xf32, #tpu.memory_space<hbm>> -> memref<8x1024xf32, #tpu.memory_space<hbm>>
          %dma_wait3A_468 = arith.constant 0 : i32
          %dma_wait3A_469 = arith.constant 0 : i32
          %dma_wait3A_470 = tpu.memref_slice %arg6[%dma_wait3A_459, %dma_wait3A_468, %dma_wait3A_469] : memref<8x8x1024xf32, #tpu.memory_space<vmem>> -> memref<1x8x1024xf32, #tpu.memory_space<vmem>>
          %dma_wait3A_471 = tpu.memref_squeeze %dma_wait3A_470 : memref<1x8x1024xf32, #tpu.memory_space<vmem>> -> memref<8x1024xf32, #tpu.memory_space<vmem>>
          tpu.wait_dma2 semaphore(%arg18 : memref<!tpu.dma_semaphore, #tpu.memory_space<semaphore_mem>>) src(%dma_wait3A_471 : memref<8x1024xf32, #tpu.memory_space<vmem>>) dst(%dma_wait3A_467 : memref<8x1024xf32, #tpu.memory_space<hbm>>)
        } else {
        }
        %mul3A_448 = arith.constant 8 : i32
        %mul3A_449 = arith.muli %add3A_412, %mul3A_448 : i32
        %dma_start3A_450 = arith.constant 3 : i32
        %dma_start3A_451 = arith.constant 0 : i32
        %dma_start3A_452 = arith.constant 0 : i32
        %dma_start3A_453 = tpu.memref_slice %arg6[%dma_start3A_450, %dma_start3A_451, %dma_start3A_452] : memref<8x8x1024xf32, #tpu.memory_space<vmem>> -> memref<1x8x1024xf32, #tpu.memory_space<vmem>>
        %dma_start3A_454 = tpu.memref_squeeze %dma_start3A_453 : memref<1x8x1024xf32, #tpu.memory_space<vmem>> -> memref<8x1024xf32, #tpu.memory_space<vmem>>
        %dma_start3A_455 = tpu.memref_slice %arg5[%mul3A_449] : memref<1024xi32, #tpu.memory_space<vmem>> -> memref<8xi32, #tpu.memory_space<vmem>>
        %dma_start3A_456 = arith.constant 0 : i32
        %dma_start3A_457 = arith.constant 0 : i32
        %dma_start3A_458 = tpu.memref_slice %arg3[%dma_start3A_456, %dma_start3A_457] : memref<8192x1024xf32, #tpu.memory_space<hbm>> -> memref<8192x1024xf32, #tpu.memory_space<hbm>>
        tpu.enqueue_indirect_dma source(%dma_start3A_458 : memref<8192x1024xf32, #tpu.memory_space<hbm>>) target(%dma_start3A_454 : memref<8x1024xf32, #tpu.memory_space<vmem>>) offsets(%dma_start3A_455 : memref<8xi32, #tpu.memory_space<vmem>>) semaphore(%arg10 : memref<!tpu.dma_semaphore, #tpu.memory_space<semaphore_mem>>)
      } else {
      }
      %dma_wait3A_418 = arith.constant 7 : i32
      %dma_wait3A_419 = arith.constant 0 : i32
      %dma_wait3A_420 = arith.constant 0 : i32
      %dma_wait3A_421 = tpu.memref_slice %arg6[%dma_wait3A_418, %dma_wait3A_419, %dma_wait3A_420] : memref<8x8x1024xf32, #tpu.memory_space<vmem>> -> memref<1x8x1024xf32, #tpu.memory_space<vmem>>
      %dma_wait3A_422 = tpu.memref_squeeze %dma_wait3A_421 : memref<1x8x1024xf32, #tpu.memory_space<vmem>> -> memref<8x1024xf32, #tpu.memory_space<vmem>>
      %dma_wait3A_423 = arith.constant 0 : i32
      %dma_wait3A_424 = tpu.memref_slice %arg5[%dma_wait3A_423] : memref<1024xi32, #tpu.memory_space<vmem>> -> memref<8xi32, #tpu.memory_space<vmem>>
      %dma_wait3A_425 = arith.constant 0 : i32
      %dma_wait3A_426 = arith.constant 0 : i32
      %dma_wait3A_427 = tpu.memref_slice %arg3[%dma_wait3A_425, %dma_wait3A_426] : memref<8192x1024xf32, #tpu.memory_space<hbm>> -> memref<8192x1024xf32, #tpu.memory_space<hbm>>
      tpu.wait_indirect_dma semaphore(%arg14 : memref<!tpu.dma_semaphore, #tpu.memory_space<semaphore_mem>>) src(%dma_wait3A_427 : memref<8192x1024xf32, #tpu.memory_space<hbm>>) dst(%dma_wait3A_422 : memref<8x1024xf32, #tpu.memory_space<vmem>>)
      %mul3A_428 = arith.constant 8 : i32
      %mul3A_429 = arith.muli %add3A_410, %mul3A_428 : i32
      %add3A_430 = arith.addi %mul3A_2, %mul3A_429 : i32
      %dma_start3A_431 = arith.constant 7 : i32
      %dma_start3A_432 = arith.constant 0 : i32
      %dma_start3A_433 = arith.constant 0 : i32
      %dma_start3A_434 = tpu.memref_slice %arg6[%dma_start3A_431, %dma_start3A_432, %dma_start3A_433] : memref<8x8x1024xf32, #tpu.memory_space<vmem>> -> memref<1x8x1024xf32, #tpu.memory_space<vmem>>
      %dma_start3A_435 = tpu.memref_squeeze %dma_start3A_434 : memref<1x8x1024xf32, #tpu.memory_space<vmem>> -> memref<8x1024xf32, #tpu.memory_space<vmem>>
      %dma_start3A_436 = arith.constant 0 : i32
      %dma_start3A_437 = tpu.memref_slice %arg4[%add3A_430, %dma_start3A_436] : memref<32768x1024xf32, #tpu.memory_space<hbm>> -> memref<8x1024xf32, #tpu.memory_space<hbm>>
      %dma_start3A_438 = arith.constant 0 : i32
      %dma_start3A_439 = tpu.memref_slice %arg4[%add3A_430, %dma_start3A_438] : memref<32768x1024xf32, #tpu.memory_space<hbm>> -> memref<8x1024xf32, #tpu.memory_space<hbm>>
      %dma_start3A_440 = arith.constant 0 : i32
      %dma_start3A_441 = arith.constant 0 : i32
      %dma_start3A_442 = tpu.memref_slice %arg6[%dma_start3A_431, %dma_start3A_440, %dma_start3A_441] : memref<8x8x1024xf32, #tpu.memory_space<vmem>> -> memref<1x8x1024xf32, #tpu.memory_space<vmem>>
      %dma_start3A_443 = tpu.memref_squeeze %dma_start3A_442 : memref<1x8x1024xf32, #tpu.memory_space<vmem>> -> memref<8x1024xf32, #tpu.memory_space<vmem>>
      tpu.enqueue_dma source(%dma_start3A_443 : memref<8x1024xf32, #tpu.memory_space<vmem>>) target(%dma_start3A_439 : memref<8x1024xf32, #tpu.memory_space<hbm>>) target_semaphore(%arg22 : memref<!tpu.dma_semaphore, #tpu.memory_space<semaphore_mem>>)
    }
    %scan3A_46 = arith.constant 16 : i32
    %dma_wait3A = arith.constant 0 : i32
    %dma_wait3A_47 = arith.constant 0 : i32
    %dma_wait3A_48 = arith.constant 0 : i32
    %dma_wait3A_49 = tpu.memref_slice %arg6[%dma_wait3A, %dma_wait3A_47, %dma_wait3A_48] : memref<8x8x1024xf32, #tpu.memory_space<vmem>> -> memref<1x8x1024xf32, #tpu.memory_space<vmem>>
    %dma_wait3A_50 = tpu.memref_squeeze %dma_wait3A_49 : memref<1x8x1024xf32, #tpu.memory_space<vmem>> -> memref<8x1024xf32, #tpu.memory_space<vmem>>
    %dma_wait3A_51 = arith.constant 0 : i32
    %dma_wait3A_52 = tpu.memref_slice %arg4[%mul3A_2, %dma_wait3A_51] : memref<32768x1024xf32, #tpu.memory_space<hbm>> -> memref<8x1024xf32, #tpu.memory_space<hbm>>
    %dma_wait3A_53 = arith.constant 0 : i32
    %dma_wait3A_54 = tpu.memref_slice %arg4[%mul3A_2, %dma_wait3A_53] : memref<32768x1024xf32, #tpu.memory_space<hbm>> -> memref<8x1024xf32, #tpu.memory_space<hbm>>
    %dma_wait3A_55 = arith.constant 0 : i32
    %dma_wait3A_56 = arith.constant 0 : i32
    %dma_wait3A_57 = tpu.memref_slice %arg6[%dma_wait3A, %dma_wait3A_55, %dma_wait3A_56] : memref<8x8x1024xf32, #tpu.memory_space<vmem>> -> memref<1x8x1024xf32, #tpu.memory_space<vmem>>
    %dma_wait3A_58 = tpu.memref_squeeze %dma_wait3A_57 : memref<1x8x1024xf32, #tpu.memory_space<vmem>> -> memref<8x1024xf32, #tpu.memory_space<vmem>>
    tpu.wait_dma2 semaphore(%arg15 : memref<!tpu.dma_semaphore, #tpu.memory_space<semaphore_mem>>) src(%dma_wait3A_58 : memref<8x1024xf32, #tpu.memory_space<vmem>>) dst(%dma_wait3A_54 : memref<8x1024xf32, #tpu.memory_space<hbm>>)
    %dma_wait3A_59 = arith.constant 1 : i32
    %dma_wait3A_60 = arith.constant 0 : i32
    %dma_wait3A_61 = arith.constant 0 : i32
    %dma_wait3A_62 = tpu.memref_slice %arg6[%dma_wait3A_59, %dma_wait3A_60, %dma_wait3A_61] : memref<8x8x1024xf32, #tpu.memory_space<vmem>> -> memref<1x8x1024xf32, #tpu.memory_space<vmem>>
    %dma_wait3A_63 = tpu.memref_squeeze %dma_wait3A_62 : memref<1x8x1024xf32, #tpu.memory_space<vmem>> -> memref<8x1024xf32, #tpu.memory_space<vmem>>
    %dma_wait3A_64 = arith.constant 0 : i32
    %dma_wait3A_65 = tpu.memref_slice %arg4[%mul3A_2, %dma_wait3A_64] : memref<32768x1024xf32, #tpu.memory_space<hbm>> -> memref<8x1024xf32, #tpu.memory_space<hbm>>
    %dma_wait3A_66 = arith.constant 0 : i32
    %dma_wait3A_67 = tpu.memref_slice %arg4[%mul3A_2, %dma_wait3A_66] : memref<32768x1024xf32, #tpu.memory_space<hbm>> -> memref<8x1024xf32, #tpu.memory_space<hbm>>
    %dma_wait3A_68 = arith.constant 0 : i32
    %dma_wait3A_69 = arith.constant 0 : i32
    %dma_wait3A_70 = tpu.memref_slice %arg6[%dma_wait3A_59, %dma_wait3A_68, %dma_wait3A_69] : memref<8x8x1024xf32, #tpu.memory_space<vmem>> -> memref<1x8x1024xf32, #tpu.memory_space<vmem>>
    %dma_wait3A_71 = tpu.memref_squeeze %dma_wait3A_70 : memref<1x8x1024xf32, #tpu.memory_space<vmem>> -> memref<8x1024xf32, #tpu.memory_space<vmem>>
    tpu.wait_dma2 semaphore(%arg16 : memref<!tpu.dma_semaphore, #tpu.memory_space<semaphore_mem>>) src(%dma_wait3A_71 : memref<8x1024xf32, #tpu.memory_space<vmem>>) dst(%dma_wait3A_67 : memref<8x1024xf32, #tpu.memory_space<hbm>>)
    %dma_wait3A_72 = arith.constant 2 : i32
    %dma_wait3A_73 = arith.constant 0 : i32
    %dma_wait3A_74 = arith.constant 0 : i32
    %dma_wait3A_75 = tpu.memref_slice %arg6[%dma_wait3A_72, %dma_wait3A_73, %dma_wait3A_74] : memref<8x8x1024xf32, #tpu.memory_space<vmem>> -> memref<1x8x1024xf32, #tpu.memory_space<vmem>>
    %dma_wait3A_76 = tpu.memref_squeeze %dma_wait3A_75 : memref<1x8x1024xf32, #tpu.memory_space<vmem>> -> memref<8x1024xf32, #tpu.memory_space<vmem>>
    %dma_wait3A_77 = arith.constant 0 : i32
    %dma_wait3A_78 = tpu.memref_slice %arg4[%mul3A_2, %dma_wait3A_77] : memref<32768x1024xf32, #tpu.memory_space<hbm>> -> memref<8x1024xf32, #tpu.memory_space<hbm>>
    %dma_wait3A_79 = arith.constant 0 : i32
    %dma_wait3A_80 = tpu.memref_slice %arg4[%mul3A_2, %dma_wait3A_79] : memref<32768x1024xf32, #tpu.memory_space<hbm>> -> memref<8x1024xf32, #tpu.memory_space<hbm>>
    %dma_wait3A_81 = arith.constant 0 : i32
    %dma_wait3A_82 = arith.constant 0 : i32
    %dma_wait3A_83 = tpu.memref_slice %arg6[%dma_wait3A_72, %dma_wait3A_81, %dma_wait3A_82] : memref<8x8x1024xf32, #tpu.memory_space<vmem>> -> memref<1x8x1024xf32, #tpu.memory_space<vmem>>
    %dma_wait3A_84 = tpu.memref_squeeze %dma_wait3A_83 : memref<1x8x1024xf32, #tpu.memory_space<vmem>> -> memref<8x1024xf32, #tpu.memory_space<vmem>>
    tpu.wait_dma2 semaphore(%arg17 : memref<!tpu.dma_semaphore, #tpu.memory_space<semaphore_mem>>) src(%dma_wait3A_84 : memref<8x1024xf32, #tpu.memory_space<vmem>>) dst(%dma_wait3A_80 : memref<8x1024xf32, #tpu.memory_space<hbm>>)
    %dma_wait3A_85 = arith.constant 3 : i32
    %dma_wait3A_86 = arith.constant 0 : i32
    %dma_wait3A_87 = arith.constant 0 : i32
    %dma_wait3A_88 = tpu.memref_slice %arg6[%dma_wait3A_85, %dma_wait3A_86, %dma_wait3A_87] : memref<8x8x1024xf32, #tpu.memory_space<vmem>> -> memref<1x8x1024xf32, #tpu.memory_space<vmem>>
    %dma_wait3A_89 = tpu.memref_squeeze %dma_wait3A_88 : memref<1x8x1024xf32, #tpu.memory_space<vmem>> -> memref<8x1024xf32, #tpu.memory_space<vmem>>
    %dma_wait3A_90 = arith.constant 0 : i32
    %dma_wait3A_91 = tpu.memref_slice %arg4[%mul3A_2, %dma_wait3A_90] : memref<32768x1024xf32, #tpu.memory_space<hbm>> -> memref<8x1024xf32, #tpu.memory_space<hbm>>
    %dma_wait3A_92 = arith.constant 0 : i32
    %dma_wait3A_93 = tpu.memref_slice %arg4[%mul3A_2, %dma_wait3A_92] : memref<32768x1024xf32, #tpu.memory_space<hbm>> -> memref<8x1024xf32, #tpu.memory_space<hbm>>
    %dma_wait3A_94 = arith.constant 0 : i32
    %dma_wait3A_95 = arith.constant 0 : i32
    %dma_wait3A_96 = tpu.memref_slice %arg6[%dma_wait3A_85, %dma_wait3A_94, %dma_wait3A_95] : memref<8x8x1024xf32, #tpu.memory_space<vmem>> -> memref<1x8x1024xf32, #tpu.memory_space<vmem>>
    %dma_wait3A_97 = tpu.memref_squeeze %dma_wait3A_96 : memref<1x8x1024xf32, #tpu.memory_space<vmem>> -> memref<8x1024xf32, #tpu.memory_space<vmem>>
    tpu.wait_dma2 semaphore(%arg18 : memref<!tpu.dma_semaphore, #tpu.memory_space<semaphore_mem>>) src(%dma_wait3A_97 : memref<8x1024xf32, #tpu.memory_space<vmem>>) dst(%dma_wait3A_93 : memref<8x1024xf32, #tpu.memory_space<hbm>>)
    %dma_wait3A_98 = arith.constant 4 : i32
    %dma_wait3A_99 = arith.constant 0 : i32
    %dma_wait3A_100 = arith.constant 0 : i32
    %dma_wait3A_101 = tpu.memref_slice %arg6[%dma_wait3A_98, %dma_wait3A_99, %dma_wait3A_100] : memref<8x8x1024xf32, #tpu.memory_space<vmem>> -> memref<1x8x1024xf32, #tpu.memory_space<vmem>>
    %dma_wait3A_102 = tpu.memref_squeeze %dma_wait3A_101 : memref<1x8x1024xf32, #tpu.memory_space<vmem>> -> memref<8x1024xf32, #tpu.memory_space<vmem>>
    %dma_wait3A_103 = arith.constant 0 : i32
    %dma_wait3A_104 = tpu.memref_slice %arg4[%mul3A_2, %dma_wait3A_103] : memref<32768x1024xf32, #tpu.memory_space<hbm>> -> memref<8x1024xf32, #tpu.memory_space<hbm>>
    %dma_wait3A_105 = arith.constant 0 : i32
    %dma_wait3A_106 = tpu.memref_slice %arg4[%mul3A_2, %dma_wait3A_105] : memref<32768x1024xf32, #tpu.memory_space<hbm>> -> memref<8x1024xf32, #tpu.memory_space<hbm>>
    %dma_wait3A_107 = arith.constant 0 : i32
    %dma_wait3A_108 = arith.constant 0 : i32
    %dma_wait3A_109 = tpu.memref_slice %arg6[%dma_wait3A_98, %dma_wait3A_107, %dma_wait3A_108] : memref<8x8x1024xf32, #tpu.memory_space<vmem>> -> memref<1x8x1024xf32, #tpu.memory_space<vmem>>
    %dma_wait3A_110 = tpu.memref_squeeze %dma_wait3A_109 : memref<1x8x1024xf32, #tpu.memory_space<vmem>> -> memref<8x1024xf32, #tpu.memory_space<vmem>>
    tpu.wait_dma2 semaphore(%arg19 : memref<!tpu.dma_semaphore, #tpu.memory_space<semaphore_mem>>) src(%dma_wait3A_110 : memref<8x1024xf32, #tpu.memory_space<vmem>>) dst(%dma_wait3A_106 : memref<8x1024xf32, #tpu.memory_space<hbm>>)
    %dma_wait3A_111 = arith.constant 5 : i32
    %dma_wait3A_112 = arith.constant 0 : i32
    %dma_wait3A_113 = arith.constant 0 : i32
    %dma_wait3A_114 = tpu.memref_slice %arg6[%dma_wait3A_111, %dma_wait3A_112, %dma_wait3A_113] : memref<8x8x1024xf32, #tpu.memory_space<vmem>> -> memref<1x8x1024xf32, #tpu.memory_space<vmem>>
    %dma_wait3A_115 = tpu.memref_squeeze %dma_wait3A_114 : memref<1x8x1024xf32, #tpu.memory_space<vmem>> -> memref<8x1024xf32, #tpu.memory_space<vmem>>
    %dma_wait3A_116 = arith.constant 0 : i32
    %dma_wait3A_117 = tpu.memref_slice %arg4[%mul3A_2, %dma_wait3A_116] : memref<32768x1024xf32, #tpu.memory_space<hbm>> -> memref<8x1024xf32, #tpu.memory_space<hbm>>
    %dma_wait3A_118 = arith.constant 0 : i32
    %dma_wait3A_119 = tpu.memref_slice %arg4[%mul3A_2, %dma_wait3A_118] : memref<32768x1024xf32, #tpu.memory_space<hbm>> -> memref<8x1024xf32, #tpu.memory_space<hbm>>
    %dma_wait3A_120 = arith.constant 0 : i32
    %dma_wait3A_121 = arith.constant 0 : i32
    %dma_wait3A_122 = tpu.memref_slice %arg6[%dma_wait3A_111, %dma_wait3A_120, %dma_wait3A_121] : memref<8x8x1024xf32, #tpu.memory_space<vmem>> -> memref<1x8x1024xf32, #tpu.memory_space<vmem>>
    %dma_wait3A_123 = tpu.memref_squeeze %dma_wait3A_122 : memref<1x8x1024xf32, #tpu.memory_space<vmem>> -> memref<8x1024xf32, #tpu.memory_space<vmem>>
    tpu.wait_dma2 semaphore(%arg20 : memref<!tpu.dma_semaphore, #tpu.memory_space<semaphore_mem>>) src(%dma_wait3A_123 : memref<8x1024xf32, #tpu.memory_space<vmem>>) dst(%dma_wait3A_119 : memref<8x1024xf32, #tpu.memory_space<hbm>>)
    %dma_wait3A_124 = arith.constant 6 : i32
    %dma_wait3A_125 = arith.constant 0 : i32
    %dma_wait3A_126 = arith.constant 0 : i32
    %dma_wait3A_127 = tpu.memref_slice %arg6[%dma_wait3A_124, %dma_wait3A_125, %dma_wait3A_126] : memref<8x8x1024xf32, #tpu.memory_space<vmem>> -> memref<1x8x1024xf32, #tpu.memory_space<vmem>>
    %dma_wait3A_128 = tpu.memref_squeeze %dma_wait3A_127 : memref<1x8x1024xf32, #tpu.memory_space<vmem>> -> memref<8x1024xf32, #tpu.memory_space<vmem>>
    %dma_wait3A_129 = arith.constant 0 : i32
    %dma_wait3A_130 = tpu.memref_slice %arg4[%mul3A_2, %dma_wait3A_129] : memref<32768x1024xf32, #tpu.memory_space<hbm>> -> memref<8x1024xf32, #tpu.memory_space<hbm>>
    %dma_wait3A_131 = arith.constant 0 : i32
    %dma_wait3A_132 = tpu.memref_slice %arg4[%mul3A_2, %dma_wait3A_131] : memref<32768x1024xf32, #tpu.memory_space<hbm>> -> memref<8x1024xf32, #tpu.memory_space<hbm>>
    %dma_wait3A_133 = arith.constant 0 : i32
    %dma_wait3A_134 = arith.constant 0 : i32
    %dma_wait3A_135 = tpu.memref_slice %arg6[%dma_wait3A_124, %dma_wait3A_133, %dma_wait3A_134] : memref<8x8x1024xf32, #tpu.memory_space<vmem>> -> memref<1x8x1024xf32, #tpu.memory_space<vmem>>
    %dma_wait3A_136 = tpu.memref_squeeze %dma_wait3A_135 : memref<1x8x1024xf32, #tpu.memory_space<vmem>> -> memref<8x1024xf32, #tpu.memory_space<vmem>>
    tpu.wait_dma2 semaphore(%arg21 : memref<!tpu.dma_semaphore, #tpu.memory_space<semaphore_mem>>) src(%dma_wait3A_136 : memref<8x1024xf32, #tpu.memory_space<vmem>>) dst(%dma_wait3A_132 : memref<8x1024xf32, #tpu.memory_space<hbm>>)
    %dma_wait3A_137 = arith.constant 7 : i32
    %dma_wait3A_138 = arith.constant 0 : i32
    %dma_wait3A_139 = arith.constant 0 : i32
    %dma_wait3A_140 = tpu.memref_slice %arg6[%dma_wait3A_137, %dma_wait3A_138, %dma_wait3A_139] : memref<8x8x1024xf32, #tpu.memory_space<vmem>> -> memref<1x8x1024xf32, #tpu.memory_space<vmem>>
    %dma_wait3A_141 = tpu.memref_squeeze %dma_wait3A_140 : memref<1x8x1024xf32, #tpu.memory_space<vmem>> -> memref<8x1024xf32, #tpu.memory_space<vmem>>
    %dma_wait3A_142 = arith.constant 0 : i32
    %dma_wait3A_143 = tpu.memref_slice %arg4[%mul3A_2, %dma_wait3A_142] : memref<32768x1024xf32, #tpu.memory_space<hbm>> -> memref<8x1024xf32, #tpu.memory_space<hbm>>
    %dma_wait3A_144 = arith.constant 0 : i32
    %dma_wait3A_145 = tpu.memref_slice %arg4[%mul3A_2, %dma_wait3A_144] : memref<32768x1024xf32, #tpu.memory_space<hbm>> -> memref<8x1024xf32, #tpu.memory_space<hbm>>
    %dma_wait3A_146 = arith.constant 0 : i32
    %dma_wait3A_147 = arith.constant 0 : i32
    %dma_wait3A_148 = tpu.memref_slice %arg6[%dma_wait3A_137, %dma_wait3A_146, %dma_wait3A_147] : memref<8x8x1024xf32, #tpu.memory_space<vmem>> -> memref<1x8x1024xf32, #tpu.memory_space<vmem>>
    %dma_wait3A_149 = tpu.memref_squeeze %dma_wait3A_148 : memref<1x8x1024xf32, #tpu.memory_space<vmem>> -> memref<8x1024xf32, #tpu.memory_space<vmem>>
    tpu.wait_dma2 semaphore(%arg22 : memref<!tpu.dma_semaphore, #tpu.memory_space<semaphore_mem>>) src(%dma_wait3A_149 : memref<8x1024xf32, #tpu.memory_space<vmem>>) dst(%dma_wait3A_145 : memref<8x1024xf32, #tpu.memory_space<hbm>>)
    return
  }
}

</mosaic_0001>

<sc_bundles>
// kernel: _gather_rows.3.cloned.1.call-start
scs
__scs_entry_jumppad:
0x0: {  	(pc) =	sbr.rel $0x88, $3  }
0x1: {  	(tag) =	ssettag $0x0;
	lr =	simm.s32 $0x1  }
0x2: {  	[smem:$0x3F9F] =	sst lr;
	_ =	strace $0xD0000000  }
0x3: {  	_ = 	snop  }
0x4: {  	_ = 	snop  }
0x5: {  	_ = 	snop  }
0x6: {  	_ = 	snop  }
0x7: {  	_ = 	snop  }
__scs_overlays_trampoline_lowered:
0x8: {  	[smem:$0x3FAE] =	sst s0  }
0x9: {  	[smem:$0x3FAF] =	sst s1  }
0xa: {  	[smem:$0x3FB0] =	sst s2  }
0xb: {  	[smem:$0x3FB1] =	sst s3  }
0xc: {  	[smem:$0x3FB2] =	sst s4  }
0xd: {  	[smem:$0x3FB3] =	sst s5  }
0xe: {  	[smem:$0x3FB4] =	sst s6  }
0xf: {  	[smem:$0x3FB5] =	sst s7  }
0x10: {  	[smem:$0x3FB6] =	sst s8  }
0x11: {  	[smem:$0x3FB7] =	sst s9;
	s0 =	simm.s32 @!p0 $0x0  }
0x12: {  	s1 =	sld [smem:$0x3F9D];
	s0 =	simm.s32 @p0 $0x1  }
0x13: {  	[smem:$0x3FB8] =	sst s0;
	s0 =	simm.s32 @!p1 $0x0  }
0x14: {  	s2 =	sld [smem:$0x3F9C];
	s0 =	simm.s32 @p1 $0x1  }
0x15: {  	[smem:$0x3FB9] =	sst s0;
	s0 =	simm.s32 @!p2 $0x0  }
0x16: {  	s3 =	sld [smem:$0x3FDB];
	s0 =	simm.s32 @p2 $0x1  }
0x17: {  	s4 =	simm.s32 $0x1BF5;
	[smem:$0x3FBB] =	sst s0  }
0x18: {  	s0 =	sld [smem:$0x3F9E];
	_ =	swait.ge [sflag:s4], $0x0  }
0x19: {  	s7 =	sld [smem:$0x3F9F]  }
0x1a: {  	s8 =	sadd.s32 $0xFFFFE003, lr  }
0x1b: {  	s9 =	sadd.s32 $0xFFFFFEF7, lr;
	s5 =	simm.s32 $0xFFFFFFFF;
	p2 =	slt.u32 s8, $0xFFFFF086  }
0x1c: {  	p1 =	slt.u32 s9, $0xF7A;
	s5 =	simm.s32 @!p2 $0x0  }
0x1d: {  	s5 =	simm.s32 @p1 $0x1;
	p0 =	seq.s32 s7, s2  }
0x1e: {  	s7 =	smul.u32 @!p0 $0xF7A, s2;
	p2 =	seq.s32 @!p0 s5, $0x0  }
0x1f: {  	s9 =	smul.u32 $0xF7A, s1;
	s8 =	simm.s32 @!p0 $0x1BF5;
	p2 =	por !p2, p0  }
0x20: {  	[sflag:s8] =	ssyncset.s32 @!p0 $0xFFFFF086;
	s6 =	sadd.s32 @!p0 s3, s7;
	s7 =	simm.s32 @!p0 $0x108  }
0x21: {  	s3 =	sadd.s32 s3, s9;
	s6 =	sadd.s32 @!p0 $0x88, s6;
	s7 =	simm.s32 @p2 $0x1082  }
0x22: {  	[simem:s7], [sflag:s8] =	dma.local @!p0 [hbm:s6], $0xF7A  }
0x23: {  	s9 =	sor.u32 $0xD0000000, s2;
	s6 =	simm.s32 $0x108;
	_ =	swait.ge @!p0 [sflag:s8], $0x0  }
0x24: {  	s3 =	sadd.s32 $0x88, s3;
	s6 =	simm.s32 @!p1 $0x1082;
	[sflag:s4] =	ssyncset.s32 $0xFFFFF086  }
0x25: {  	[simem:s6], [sflag:s4] =	dma.local [hbm:s3], $0xF7A  }
0x26: {  	[smem:$0x3F9F] =	sst s1;
	(tag) =	ssettag s2;
	_ =	strace s9  }
0x27: {  	s1 =	sld [smem:$0x3FAF]  }
0x28: {  	s2 =	sld [smem:$0x3FB0]  }
0x29: {  	s4 =	sld [smem:$0x3FB2]  }
0x2a: {  	p0 =	seq.s32 s5, $0x0;
	s5 =	sld [smem:$0x3FB3]  }
0x2b: {  	s6 =	sld [smem:$0x3FB4]  }
0x2c: {  	s7 =	sld [smem:$0x3FB5]  }
0x2d: {  	s3 =	simm.s32 $0x108;
	s8 =	sld [smem:$0x3FB6]  }
0x2e: {  	s3 =	simm.s32 @!p0 $0x1082;
	s9 =	sld [smem:$0x3FB7]  }
0x2f: {  	lr =	sadd.s32 s0, s3;
	s0 =	sld [smem:$0x3FAE]  }
0x30: {  	s3 =	sld [smem:$0x3FB1]  }
0x31: {  	[smem:$0x3FBA] =	sst s10  }
0x32: {  	s10 =	sld [smem:$0x3FB8];
	_ =	sdelay $0x3  }
0x33: {  	p0 =	seq.s32 s10, $0x1;
	s10 =	sld [smem:$0x3FBA];
	_ =	sdelay $0x3  }
0x34: {  	[smem:$0x3FBA] =	sst s10  }
0x35: {  	s10 =	sld [smem:$0x3FB9];
	_ =	sdelay $0x3  }
0x36: {  	p1 =	seq.s32 s10, $0x1;
	s10 =	sld [smem:$0x3FBA];
	_ =	sdelay $0x3  }
0x37: {  	[smem:$0x3FBA] =	sst s10  }
0x38: {  	s10 =	sld [smem:$0x3FBB]  }
0x39: {  	_ = 	snop;
	(pc) =	sbr.ind lr, $3  }
0x3a: {  	_ = 	snop  }
0x3b: {  	_ = 	snop  }
0x3c: {  	p2 =	seq.s32 s10, $0x1;
	s10 =	sld [smem:$0x3FBA]  }
0x3d: {  	_ =	shalt  }
0x3e: {  	_ =	shalt  }
0x3f: {  	_ =	shalt  }
0x40: {  	_ =	shalt  }
0x41: {  	_ =	shalt  }
0x42: {  	_ =	shalt  }
0x43: {  	_ =	shalt  }
0x44: {  	_ =	shalt  }
0x45: {  	_ =	shalt  }
0x46: {  	_ =	shalt  }
0x47: {  	_ =	shalt  }
0x48: {  	_ =	shalt  }
0x49: {  	_ =	shalt  }
0x4a: {  	_ =	shalt  }
0x4b: {  	_ =	shalt  }
0x4c: {  	_ =	shalt  }
0x4d: {  	_ =	shalt  }
0x4e: {  	_ =	shalt  }
0x4f: {  	_ =	shalt  }
0x50: {  	_ =	shalt  }
0x51: {  	_ =	shalt  }
0x52: {  	_ =	shalt  }
0x53: {  	_ =	shalt  }
0x54: {  	_ =	shalt  }
0x55: {  	_ =	shalt  }
0x56: {  	_ =	shalt  }
0x57: {  	_ =	shalt  }
0x58: {  	_ =	shalt  }
0x59: {  	_ =	shalt  }
0x5a: {  	_ =	shalt  }
0x5b: {  	_ =	shalt  }
0x5c: {  	_ =	shalt  }
0x5d: {  	_ =	shalt  }
0x5e: {  	_ =	shalt  }
0x5f: {  	_ =	shalt  }
0x60: {  	_ =	shalt  }
0x61: {  	_ =	shalt  }
0x62: {  	_ =	shalt  }
0x63: {  	_ =	shalt  }
0x64: {  	_ =	shalt  }
0x65: {  	_ =	shalt  }
0x66: {  	_ =	shalt  }
0x67: {  	_ =	shalt  }
0x68: {  	_ =	shalt  }
0x69: {  	_ =	shalt  }
0x6a: {  	_ =	shalt  }
0x6b: {  	_ =	shalt  }
0x6c: {  	_ =	shalt  }
0x6d: {  	_ =	shalt  }
0x6e: {  	_ =	shalt  }
0x6f: {  	_ =	shalt  }
0x70: {  	_ =	shalt  }
0x71: {  	_ =	shalt  }
0x72: {  	_ =	shalt  }
0x73: {  	_ =	shalt  }
0x74: {  	_ =	shalt  }
0x75: {  	_ =	shalt  }
0x76: {  	_ =	shalt  }
0x77: {  	_ =	shalt  }
0x78: {  	_ =	shalt  }
0x79: {  	_ =	shalt  }
0x7a: {  	_ =	shalt  }
0x7b: {  	_ =	shalt  }
0x7c: {  	_ =	shalt  }
0x7d: {  	_ =	shalt  }
0x7e: {  	_ =	shalt  }
0x7f: {  	_ =	shalt  }
0x80: {  	_ =	shalt  }
0x81: {  	_ =	shalt  }
0x82: {  	_ =	shalt  }
0x83: {  	_ =	shalt  }
0x84: {  	_ =	shalt  }
0x85: {  	_ =	shalt  }
0x86: {  	_ =	shalt  }
0x87: {  	_ =	shalt  }
.Lfunc_end0:
.L_simem_size_0:
called_computation_lowered:
.L_overlay_start_0:
0x88: {  	s2 =	sld [smem:$0x3FD9]  }
0x89: {  	s3 =	sld [smem:$0x3FFE];
	_ =	sdelay $0x1  }
0x8a: {  	s1 =	srdreg.scid  }
0x8b: {  	s0 =	sand.u32 $0x1, s1  }
0x8c: {  	s18 =	sshll.u32 s0, $0xA;
	s2 =	sadd.s32 s3, s2  }
0x8d: {  	s2 =	sadd.s32 s2, s18  }
0x8e: {  	[smem:$0x3FC6] =	sst s2  }
0x8f: {  	_ = 	snop  }
0x90: {  	s2 =	sld [smem:$0x3FC9]  }
0x91: {  	s19 =	sld [smem:$0x3FC8]  }
0x92: {  	s4 =	sld [smem:$0x3FD0];
	(tm) =	ssettm $0x1  }
0x93: {  	s5 =	sld [smem:$0x3FFB];
	_ =	sdelay $0x3  }
0x94: {  	_ =	strace s5  }
0x95: {  	s5 =	sld [smem:$0x3FFC];
	_ =	sdelay $0x3  }
0x96: {  	_ =	strace s5  }
0x97: {  	s5 =	sld [smem:$0x3FFD];
	_ =	sdelay $0x3  }
0x98: {  	_ =	strace s5  }
0x99: {  	_ =	strace $0x8FFFFFFF  }
0x9a: {  	s20 =	sld [smem:$0x3FDB];
	_ =	sdelay $0x1  }
0x9b: {  	s6 =	simm.s32 $_scs_section_size  }
0x9c: {  	s7 =	simm.s32 $_size__tile_overlayer_lowered;
	s8 =	simm.s32 $_tile_overlayer_lowered  }
0x9d: {  	s23 =	simm.s32 $0x1BFF;
	s22 =	sshll.u32 s8, $0x1;
	s5 =	sadd.s32 s6, s20  }
0x9e: {  	s9 =	simm.s32 $0x0;
	s21 =	sshll.u32 s7, $0x1;
	s7 =	sadd.s32 s22, s5  }
0x9f: {  	[timem:s9], [sflag:s23] =	dma.local [hbm:s7], s21  }
0xa0: {  	_ =	swait.ge [sflag:s23], s21  }
0xa1: {  	s6 =	ssub.s32 $0x0, s21;
	[sflag:s23] =	ssyncset.done $0x0  }
0xa2: {  	[sflag:s23] =	ssyncadd.s32 s6;
	_ =	sdelay $0x1  }
0xa3: {  	s24 =	simm.s32 $0x1B8B  }
0xa4: {  	_ =	swait.ge [sflag:s24], $0x1  }
0xa5: {  	[sflag:s24] =	ssyncset.done $0x0  }
0xa6: {  	s25 =	simm.s32 $0x1B8E;
	[sflag:s24] =	ssyncadd.s32 $0xFFFFFFFF  }
0xa7: {  	s26 =	simm.s32 $execute0_lowered;
	[smem:$0x3FD2] =	sst s25  }
0xa8: {  	s6 =	sshll.u32 s26, $0x1;
	_ =	strace $0x80000046;
	[dreg:$0x1] =	wrdreg $0xFFFFFFFF  }
0xa9: {  	s28 =	simm.s32 $_size_execute0_lowered;
	s5 =	sadd.s32 s5, s6;
	[dreg:$0x0] =	wrdreg $0x0  }
0xaa: {  	s6 =	sshll.u32 s28, $0x1;
	[dreg:$0x2] =	wrdreg s5  }
0xab: {  	[dreg:$0x3] =	wrdreg s6  }
0xac: {  	[dreg:$0x4] =	wrdreg $0xC0  }
0xad: {  	_ =	task [dreg:s9], $0x5FFFF  }
0xae: {  	[dreg:$0x1] =	wrdreg $0xFFFFFFFF  }
0xaf: {  	[dreg:$0x0] =	wrdreg $0x60  }
0xb0: {  	[dreg:$0x2] =	wrdreg s2  }
0xb1: {  	[dreg:$0x3] =	wrdreg s19  }
0xb2: {  	[dreg:$0x4] =	wrdreg s4  }
0xb3: {  	[dreg:$0x5] =	wrdreg $0x9  }
0xb4: {  	_ =	task.clear_ibuf [dreg:s9], $0x6FFFF;
	_ =	strace $0x90000046  }
0xb5: {  	s29 =	simm.s32 $0x9;
	_ =	strace $0x80000048  }
0xb6: {  	_ =	swait.ge [sflag:s29], $0x1  }
0xb7: {  	[sflag:s29] =	ssyncadd.s32 $0xFFFFFFFF  }
0xb8: {  	_ =	strace $0x90000048  }
0xb9: {  	_ =	sfence  }
0xba: {  	s30 =	sld [smem:$0x0];
	_ =	sdelay $0x2  }
0xbb: {  	s31 =	sshll.u32 s1, $0xD;
	s1 =	sshrl.u32 s1, $0x2  }
0xbc: {  	s3 =	sand.u32 $0x4000, s31;
	s1 =	sadd.s32 s1, s30  }
0xbd: {  	s0 =	sor.u32 s3, s0;
	s1 =	sshll.u32 s1, $0x11  }
0xbe: {  	s0 =	sor.u32 s1, s0  }
0xbf: {  	s0 =	sadd.s32 $0x8F2B, s0  }
0xc0: {  	[sflag:s0] =	ssyncadd.remote.s32 $0x1  }
0xc1: {  	_ =	sfence.sel $0xFFFF  }
0xc2: {  	[dreg:$0x0] =	wrdreg $0xFFFFFFFF;
	(pc) =	sbr.abs _section_cstart, $3  }
0xc3: {  	[dreg:$0x1] =	wrdreg $0xFFFFFFFF  }
0xc4: {  	_ =	task.clear_ibuf [dreg:s9], $0x2FFFF;
	_ =	strace $0x9FFFFFFF  }
0xc5: {  	(tm) =	ssettm $0x7FFFFFFF  }
tec
execute0_lowered:
.L_overlay_start_1:
0x0: {  	(tag) =	ssettag $0x1  }
0x1: {  	s0 =	rddreg [dreg:$0x0]  }
0x2: {  	s2 =	rddreg [dreg:$0x1]  }
0x3: {  	s1 =	rddreg [dreg:$0x2]  }
0x4: {  	s3 =	srdreg.scid;
	s10 =	stileid.u32;
	s13 =	simm.s32 $0x8400  }
0x5: {  	s14 =	simm.s32 $0x8C00;
	s15 =	simm.s32 $0x9400;
	s16 =	simm.s32 $0x9C00  }
0x6: {  	s17 =	simm.s32 $0xAC00;
	s4 =	sand.u32 $0x1, s3;
	s3 =	simm.s32 $0x0  }
0x7: {  	s18 =	simm.s32 $0xB400;
	s19 =	simm.s32 $0xBC00;
	[smem:$0x7FF] =	sst s3  }
0x8: {  	s20 =	simm.s32 $0xC400;
	_ =	strace $0x80000047;
	[dreg:$0x6] =	wrdreg s13  }
0x9: {  	s21 =	simm.s32 $0xCC00;
	s22 =	simm.s32 $0xD400;
	[dreg:$0x7] =	wrdreg s14  }
0xa: {  	s23 =	simm.s32 $0xDC00;
	s28 =	simm.s32 $0x1;
	[dreg:$0x8] =	wrdreg s15  }
0xb: {  	s29 =	simm.s32 $0xA400;
	s30 =	simm.s32 $0x2;
	[dreg:$0x9] =	wrdreg s16  }
0xc: {  	s31 =	simm.s32 $0x3;
	s5 =	sshll.u32 s10, $0xB;
	[dreg:$0xa] =	wrdreg s17  }
0xd: {  	s10 =	sshll.u32 s10, $0x12;
	s6 =	sshll.u32 s4, $0xA;
	[dreg:$0xb] =	wrdreg s18  }
0xe: {  	s7 =	ssub.s32 $0x2, s4;
	s11 =	sadd.s32 s10, s1;
	[dreg:$0xc] =	wrdreg s19  }
0xf: {  	s12 =	sshll.u32 s4, $0x11;
	s5 =	sor.u32 s6, s5;
	[dreg:$0xd] =	wrdreg s20  }
0x10: {  	s24 =	sshrl.u32 s7, $0x1;
	s6 =	sadd.s32 $0x200, s2;
	[dreg:$0xe] =	wrdreg s21  }
0x11: {  	s15 =	simm.s32 $0x2400;
	s19 =	simm.s32 $0x4400;
	[dreg:$0xf] =	wrdreg s22  }
0x12: {  	[dreg:$0x10] =	wrdreg s23;
	s23 =	simm.s32 $0x6400;
	s13 =	simm.s32 $0x8  }
0x13: {  	s20 =	simm.s32 $0xD;
	s21 =	simm.s32 $0xE;
	s22 =	simm.s32 $0xF  }
0x14: {  	s8 =	sshrl.u32 s5, $0x3;
	s9 =	ssub.s32 s7, s24;
	s24 =	simm.s32 $0xEC00  }
0x15: {  	s25 =	sshll.u32 s5, $0x7;
	s0 =	sadd.s32 s0, s8;
	[dreg:$0x11] =	wrdreg s24  }
0x16: {  	s5 =	sadd.s32 $0x100, s2;
	s26 =	smax.u32 s9, $0x1;
	[dreg:$0x14] =	wrdreg s0  }
0x17: {  	s0 =	sadd.s32 s25, s1;
	[dreg:$0x15] =	wrdreg s26;
	s25 =	simm.s32 $0xF400  }
0x18: {  	s7 =	sadd.s32 $0x300, s2;
	s26 =	simm.s32 $0xFC00;
	[dreg:$0x12] =	wrdreg s25  }
0x19: {  	s24 =	simm.s32 $0x10;
	s9 =	sadd.s32 $0x1F000, s0;
	[dreg:$0x13] =	wrdreg s26  }
0x1a: {  	v0 =	vlaneseq.u32;
	s1 =	simm.s32 $0x4;
	s0 =	sadd.s32 $0x1F800, s0;
	[dreg:$0x4] =	wrdreg s9  }
0x1b: {  	v1 =	vshrl.u32 v0, $0x3;
	s25 =	simm.s32 $0x0;
	[dreg:$0x5] =	wrdreg s0;
	s9 =	sadd.s32 s12, s11  }
0x1c: {  	vm0 =	vmmov $0xffff;
	v0 =	vand.u32 $0x7, v0;
	v1 =	vmul.u32 $0x8, v1;
	s11 =	simm.s32 $0x400;
	s0 =	simm.s32 $0xE400;
	s12 =	simm.s32 $0x6  }
.LBB2_1:
0x1d: {  	s4 =	rddreg [dreg:$0x14];
	s10 =	simm.s32 $0x11  }
0x1e: {  	[tilespmem:s3], [sflag:$0x11] =	stream.linear.gather [hbm4b:s4+s3], $0x400, $0x38;
	[tilespmem:$0x10400] =	vst v63  }
0x1f: {  	_ =	swait.ge [sflag:s10], $0x400  }
0x20: {  	[sflag:s10] =	ssyncset.done $0x0  }
0x21: {  	[sflag:s10] =	ssyncadd.s32 $0xFFFFFC00  }
0x22: {  	v2 =	vld.msk [tilespmem:$0x0], $0xff;
	_ =	sdelay $0x4  }
0x23: {  	v3 =	vshll.u32 v2, $0x3  }
0x24: {  	v2 =	vand.u32 $0x7, v2;
	v3 =	vand.u32 $0xFFFFFFC0, v3  }
0x25: {  	v2 =	vor.u32 v2, v3  }
0x26: {  	v2 =	vperm.xlane v2, v0;
	_ =	sdelay $0x1  }
0x27: {  	v2 =	vadd.s32 v1, v2;
	_ =	sdelay $0x4  }
0x28: {  	[tilespmem:s11], [sflag:$0x1] =	stream.indirect_vreg.gather [hbm4b:s2+s3], $0x80, v2, vm0, $0xb8;
	[tilespmem:$0x10400] =	vst v63  }
0x29: {  	s14 =	simm.s32 $0xC00  }
0x2a: {  	[tilespmem:s14], [sflag:$0x1] =	stream.indirect_vreg.gather [hbm4b:s5+s3], $0x80, v2, vm0, $0xb8;
	[tilespmem:$0x10400] =	vst v63  }
0x2b: {  	s16 =	simm.s32 $0x1400  }
0x2c: {  	[tilespmem:s16], [sflag:$0x1] =	stream.indirect_vreg.gather [hbm4b:s6+s3], $0x80, v2, vm0, $0xb8;
	[tilespmem:$0x10400] =	vst v63  }
0x2d: {  	s17 =	simm.s32 $0x1C00  }
0x2e: {  	[tilespmem:s17], [sflag:$0x1] =	stream.indirect_vreg.gather [hbm4b:s7+s3], $0x80, v2, vm0, $0xb8;
	[tilespmem:$0x10400] =	vst v63  }
0x2f: {  	v2 =	vld.msk [tilespmem:$0x8], $0xff;
	_ =	sdelay $0x4  }
0x30: {  	v3 =	vshll.u32 v2, $0x3  }
0x31: {  	v2 =	vand.u32 $0x7, v2;
	v3 =	vand.u32 $0xFFFFFFC0, v3  }
0x32: {  	v2 =	vor.u32 v2, v3  }
0x33: {  	v2 =	vperm.xlane v2, v0;
	_ =	sdelay $0x1  }
0x34: {  	v2 =	vadd.s32 v1, v2;
	_ =	sdelay $0x4  }
0x35: {  	[tilespmem:s15], [sflag:$0x2] =	stream.indirect_vreg.gather [hbm4b:s2+s3], $0x80, v2, vm0, $0xb8;
	[tilespmem:$0x10400] =	vst v63  }
0x36: {  	s18 =	simm.s32 $0x2C00  }
0x37: {  	[tilespmem:s18], [sflag:$0x2] =	stream.indirect_vreg.gather [hbm4b:s5+s3], $0x80, v2, vm0, $0xb8;
	[tilespmem:$0x10400] =	vst v63  }
0x38: {  	s26 =	simm.s32 $0x3400  }
0x39: {  	[tilespmem:s26], [sflag:$0x2] =	stream.indirect_vreg.gather [hbm4b:s6+s3], $0x80, v2, vm0, $0xb8;
	[tilespmem:$0x10400] =	vst v63  }
0x3a: {  	s8 =	simm.s32 $0x3C00  }
0x3b: {  	[tilespmem:s8], [sflag:$0x2] =	stream.indirect_vreg.gather [hbm4b:s7+s3], $0x80, v2, vm0, $0xb8;
	[tilespmem:$0x10400] =	vst v63  }
0x3c: {  	v2 =	vld.msk [tilespmem:$0x10], $0xff;
	_ =	sdelay $0x4  }
0x3d: {  	v3 =	vshll.u32 v2, $0x3  }
0x3e: {  	v2 =	vand.u32 $0x7, v2;
	v3 =	vand.u32 $0xFFFFFFC0, v3  }
0x3f: {  	v2 =	vor.u32 v2, v3  }
0x40: {  	v2 =	vperm.xlane v2, v0;
	_ =	sdelay $0x1  }
0x41: {  	v2 =	vadd.s32 v1, v2;
	_ =	sdelay $0x4  }
0x42: {  	[tilespmem:s19], [sflag:$0x3] =	stream.indirect_vreg.gather [hbm4b:s2+s3], $0x80, v2, vm0, $0xb8;
	[tilespmem:$0x10400] =	vst v63  }
0x43: {  	s10 =	simm.s32 $0x4C00  }
0x44: {  	[tilespmem:s10], [sflag:$0x3] =	stream.indirect_vreg.gather [hbm4b:s5+s3], $0x80, v2, vm0, $0xb8;
	[tilespmem:$0x10400] =	vst v63  }
0x45: {  	s14 =	simm.s32 $0x5400  }
0x46: {  	[tilespmem:s14], [sflag:$0x3] =	stream.indirect_vreg.gather [hbm4b:s6+s3], $0x80, v2, vm0, $0xb8;
	[tilespmem:$0x10400] =	vst v63  }
0x47: {  	s16 =	simm.s32 $0x5C00  }
0x48: {  	[tilespmem:s16], [sflag:$0x3] =	stream.indirect_vreg.gather [hbm4b:s7+s3], $0x80, v2, vm0, $0xb8;
	[tilespmem:$0x10400] =	vst v63  }
0x49: {  	v2 =	vld.msk [tilespmem:$0x18], $0xff;
	_ =	sdelay $0x4  }
0x4a: {  	v3 =	vshll.u32 v2, $0x3  }
0x4b: {  	v2 =	vand.u32 $0x7, v2;
	v3 =	vand.u32 $0xFFFFFFC0, v3  }
0x4c: {  	v2 =	vor.u32 v2, v3  }
0x4d: {  	v2 =	vperm.xlane v2, v0;
	_ =	sdelay $0x1  }
0x4e: {  	v2 =	vadd.s32 v1, v2;
	_ =	sdelay $0x4  }
0x4f: {  	[tilespmem:s23], [sflag:$0x4] =	stream.indirect_vreg.gather [hbm4b:s2+s3], $0x80, v2, vm0, $0xb8;
	[tilespmem:$0x10400] =	vst v63  }
0x50: {  	s17 =	simm.s32 $0x6C00  }
0x51: {  	[tilespmem:s17], [sflag:$0x4] =	stream.indirect_vreg.gather [hbm4b:s5+s3], $0x80, v2, vm0, $0xb8;
	[tilespmem:$0x10400] =	vst v63  }
0x52: {  	s18 =	simm.s32 $0x7400  }
0x53: {  	[tilespmem:s18], [sflag:$0x4] =	stream.indirect_vreg.gather [hbm4b:s6+s3], $0x80, v2, vm0, $0xb8;
	[tilespmem:$0x10400] =	vst v63  }
0x54: {  	s26 =	simm.s32 $0x7C00  }
0x55: {  	[tilespmem:s26], [sflag:$0x4] =	stream.indirect_vreg.gather [hbm4b:s7+s3], $0x80, v2, vm0, $0xb8;
	[tilespmem:$0x10400] =	vst v63  }
0x56: {  	s4 =	simm.s32 $0x0;
	s26 =	simm.s32 $0x30  }
.LBB2_2:
0x57: {  	p0 =	seq.s32 s4, $0x0  }
0x58: {  	s8 =	simm.s32 @!p0 $0xD  }
0x59: {  	_ =	swait.ge @!p0 [sflag:s8], $0x2000  }
0x5a: {  	[sflag:s8] =	ssyncset.done @!p0 $0x0  }
0x5b: {  	[sflag:s8] =	ssyncadd.s32 @!p0 $0xFFFFE000  }
0x5c: {  	v2 =	vld.msk [tilespmem:s26+$0xFFFFFFF0], $0xff;
	_ =	sdelay $0x4  }
0x5d: {  	v3 =	vshll.u32 v2, $0x3  }
0x5e: {  	v2 =	vand.u32 $0x7, v2;
	v3 =	vand.u32 $0xFFFFFFC0, v3  }
0x5f: {  	v2 =	vor.u32 v2, v3  }
0x60: {  	v2 =	vperm.xlane v2, v0;
	_ =	sdelay $0x1  }
0x61: {  	v2 =	vadd.s32 v1, v2;
	_ =	sdelay $0x3  }
0x62: {  	s17 =	rddreg [dreg:$0x6]  }
0x63: {  	[tilespmem:s17], [sflag:$0x5] =	stream.indirect_vreg.gather [hbm4b:s2+s3], $0x80, v2, vm0, $0xb8;
	[tilespmem:$0x10400] =	vst v63  }
0x64: {  	s10 =	rddreg [dreg:$0x7]  }
0x65: {  	[tilespmem:s10], [sflag:$0x5] =	stream.indirect_vreg.gather [hbm4b:s5+s3], $0x80, v2, vm0, $0xb8;
	[tilespmem:$0x10400] =	vst v63  }
0x66: {  	s18 =	rddreg [dreg:$0x8]  }
0x67: {  	[tilespmem:s18], [sflag:$0x5] =	stream.indirect_vreg.gather [hbm4b:s6+s3], $0x80, v2, vm0, $0xb8;
	[tilespmem:$0x10400] =	vst v63  }
0x68: {  	s14 =	rddreg [dreg:$0x9]  }
0x69: {  	[tilespmem:s14], [sflag:$0x5] =	stream.indirect_vreg.gather [hbm4b:s7+s3], $0x80, v2, vm0, $0xb8;
	[tilespmem:$0x10400] =	vst v63  }
0x6a: {  	_ =	swait.ge [sflag:s28], $0x2000  }
0x6b: {  	[sflag:s28] =	ssyncset.done $0x0  }
0x6c: {  	s8 =	sadd.s32 s4, s9;
	s10 =	simm.s32 @!p0 $0xE;
	[sflag:s28] =	ssyncadd.s32 $0xFFFFE000  }
0x6d: {  	[hbm4b:s8+s3] =	stream.linear.scatter [tilespmem:s11], [sflag:$0x9], $0x2000, $0x38;
	[tilespmem:$0x10400] =	vst v63  }
0x6e: {  	_ =	swait.ge @!p0 [sflag:s10], $0x2000  }
0x6f: {  	[sflag:s10] =	ssyncset.done @!p0 $0x0  }
0x70: {  	[sflag:s10] =	ssyncadd.s32 @!p0 $0xFFFFE000  }
0x71: {  	v2 =	vld.msk [tilespmem:s26+$0xFFFFFFF8], $0xff;
	_ =	sdelay $0x4  }
0x72: {  	v3 =	vshll.u32 v2, $0x3  }
0x73: {  	v2 =	vand.u32 $0x7, v2;
	v3 =	vand.u32 $0xFFFFFFC0, v3  }
0x74: {  	v2 =	vor.u32 v2, v3  }
0x75: {  	v2 =	vperm.xlane v2, v0;
	_ =	sdelay $0x1  }
0x76: {  	v2 =	vadd.s32 v1, v2;
	_ =	sdelay $0x4  }
0x77: {  	[tilespmem:s29], [sflag:$0x6] =	stream.indirect_vreg.gather [hbm4b:s2+s3], $0x80, v2, vm0, $0xb8;
	[tilespmem:$0x10400] =	vst v63  }
0x78: {  	s16 =	rddreg [dreg:$0xa]  }
0x79: {  	[tilespmem:s16], [sflag:$0x6] =	stream.indirect_vreg.gather [hbm4b:s5+s3], $0x80, v2, vm0, $0xb8;
	[tilespmem:$0x10400] =	vst v63  }
0x7a: {  	s14 =	rddreg [dreg:$0xb]  }
0x7b: {  	[tilespmem:s14], [sflag:$0x6] =	stream.indirect_vreg.gather [hbm4b:s6+s3], $0x80, v2, vm0, $0xb8;
	[tilespmem:$0x10400] =	vst v63  }
0x7c: {  	s17 =	rddreg [dreg:$0xc]  }
0x7d: {  	[tilespmem:s17], [sflag:$0x6] =	stream.indirect_vreg.gather [hbm4b:s7+s3], $0x80, v2, vm0, $0xb8;
	[tilespmem:$0x10400] =	vst v63  }
0x7e: {  	_ =	swait.ge [sflag:s30], $0x2000  }
0x7f: {  	[sflag:s30] =	ssyncset.done $0x0  }
0x80: {  	s18 =	sadd.s32 $0x400, s8;
	s10 =	simm.s32 @!p0 $0xF;
	[sflag:s30] =	ssyncadd.s32 $0xFFFFE000  }
0x81: {  	[hbm4b:s18+s3] =	stream.linear.scatter [tilespmem:s15], [sflag:$0xA], $0x2000, $0x38;
	[tilespmem:$0x10400] =	vst v63  }
0x82: {  	_ =	swait.ge @!p0 [sflag:s10], $0x2000  }
0x83: {  	[sflag:s10] =	ssyncset.done @!p0 $0x0  }
0x84: {  	[sflag:s10] =	ssyncadd.s32 @!p0 $0xFFFFE000  }
0x85: {  	v2 =	vld.msk [tilespmem:s26+$0x0], $0xff;
	_ =	sdelay $0x4  }
0x86: {  	v3 =	vshll.u32 v2, $0x3  }
0x87: {  	v2 =	vand.u32 $0x7, v2;
	v3 =	vand.u32 $0xFFFFFFC0, v3  }
0x88: {  	v2 =	vor.u32 v2, v3  }
0x89: {  	v2 =	vperm.xlane v2, v0;
	_ =	sdelay $0x1  }
0x8a: {  	v2 =	vadd.s32 v1, v2;
	_ =	sdelay $0x3  }
0x8b: {  	s14 =	rddreg [dreg:$0xd]  }
0x8c: {  	[tilespmem:s14], [sflag:$0x7] =	stream.indirect_vreg.gather [hbm4b:s2+s3], $0x80, v2, vm0, $0xb8;
	[tilespmem:$0x10400] =	vst v63  }
0x8d: {  	s16 =	rddreg [dreg:$0xe]  }
0x8e: {  	[tilespmem:s16], [sflag:$0x7] =	stream.indirect_vreg.gather [hbm4b:s5+s3], $0x80, v2, vm0, $0xb8;
	[tilespmem:$0x10400] =	vst v63  }
0x8f: {  	s17 =	rddreg [dreg:$0xf]  }
0x90: {  	[tilespmem:s17], [sflag:$0x7] =	stream.indirect_vreg.gather [hbm4b:s6+s3], $0x80, v2, vm0, $0xb8;
	[tilespmem:$0x10400] =	vst v63  }
0x91: {  	s18 =	rddreg [dreg:$0x10]  }
0x92: {  	[tilespmem:s18], [sflag:$0x7] =	stream.indirect_vreg.gather [hbm4b:s7+s3], $0x80, v2, vm0, $0xb8;
	[tilespmem:$0x10400] =	vst v63  }
0x93: {  	_ =	swait.ge [sflag:s31], $0x2000  }
0x94: {  	[sflag:s31] =	ssyncset.done $0x0  }
0x95: {  	s10 =	simm.s32 @!p0 $0x10;
	s16 =	sadd.s32 $0x800, s8;
	[sflag:s31] =	ssyncadd.s32 $0xFFFFE000  }
0x96: {  	[hbm4b:s16+s3] =	stream.linear.scatter [tilespmem:s19], [sflag:$0xB], $0x2000, $0x38;
	[tilespmem:$0x10400] =	vst v63  }
0x97: {  	_ =	swait.ge @!p0 [sflag:s10], $0x2000  }
0x98: {  	[sflag:s10] =	ssyncset.done @!p0 $0x0  }
0x99: {  	[sflag:s10] =	ssyncadd.s32 @!p0 $0xFFFFE000  }
0x9a: {  	v2 =	vld.msk [tilespmem:s26+$0x8], $0xff;
	_ =	sdelay $0x4  }
0x9b: {  	v3 =	vshll.u32 v2, $0x3  }
0x9c: {  	v2 =	vand.u32 $0x7, v2;
	v3 =	vand.u32 $0xFFFFFFC0, v3  }
0x9d: {  	v2 =	vor.u32 v2, v3  }
0x9e: {  	v2 =	vperm.xlane v2, v0;
	_ =	sdelay $0x1  }
0x9f: {  	v2 =	vadd.s32 v1, v2;
	_ =	sdelay $0x4  }
0xa0: {  	[tilespmem:s0], [sflag:$0x8] =	stream.indirect_vreg.gather [hbm4b:s2+s3], $0x80, v2, vm0, $0xb8;
	[tilespmem:$0x10400] =	vst v63  }
0xa1: {  	s17 =	rddreg [dreg:$0x11]  }
0xa2: {  	[tilespmem:s17], [sflag:$0x8] =	stream.indirect_vreg.gather [hbm4b:s5+s3], $0x80, v2, vm0, $0xb8;
	[tilespmem:$0x10400] =	vst v63  }
0xa3: {  	s18 =	rddreg [dreg:$0x12]  }
0xa4: {  	[tilespmem:s18], [sflag:$0x8] =	stream.indirect_vreg.gather [hbm4b:s6+s3], $0x80, v2, vm0, $0xb8;
	[tilespmem:$0x10400] =	vst v63  }
0xa5: {  	s16 =	rddreg [dreg:$0x13]  }
0xa6: {  	[tilespmem:s16], [sflag:$0x8] =	stream.indirect_vreg.gather [hbm4b:s7+s3], $0x80, v2, vm0, $0xb8;
	[tilespmem:$0x10400] =	vst v63  }
0xa7: {  	_ =	swait.ge [sflag:s1], $0x2000  }
0xa8: {  	p0 =	seq.s32 s4, $0x1E000;
	[sflag:s1] =	ssyncset.done $0x0  }
0xa9: {  	s10 =	simm.s32 @p0 $0x5;
	s17 =	sadd.s32 $0xC00, s8;
	[sflag:s1] =	ssyncadd.s32 $0xFFFFE000  }
0xaa: {  	[hbm4b:s17+s3] =	stream.linear.scatter [tilespmem:s23], [sflag:$0xC], $0x2000, $0x38;
	[tilespmem:$0x10400] =	vst v63  }
0xab: {  	_ =	swait.ge @p0 [sflag:s10], $0x2000  }
0xac: {  	s14 =	simm.s32 @p0 $0x0;
	[sflag:s10] =	ssyncset.done @p0 $0x0  }
0xad: {  	s16 =	rddreg [dreg:$0x4];
	[sflag:s10] =	ssyncadd.s32 @p0 $0xFFFFE000;
	s10 =	simm.s32 @p0 $0x8400  }
0xae: {  	[hbm4b:s16+s14] =	stream.linear.scatter @p0 [tilespmem:s10], [sflag:$0xD], $0x2000, $0x38;
	[tilespmem:$0x10400] =	vst v63  }
0xaf: {  	s10 =	simm.s32 @!p0 $0x9  }
0xb0: {  	_ =	swait.ge @!p0 [sflag:s10], $0x2000  }
0xb1: {  	[sflag:s10] =	ssyncset.done @!p0 $0x0  }
0xb2: {  	[sflag:s10] =	ssyncadd.s32 @!p0 $0xFFFFE000  }
0xb3: {  	v2 =	vld.msk @!p0 [tilespmem:s26+$0x10], $0xff;
	_ =	sdelay $0x4  }
0xb4: {  	v3 =	vshll.u32 @!p0 v2, $0x3  }
0xb5: {  	v4 =	vlaneseq.u32 @!p0;
	v2 =	vand.u32 @!p0 $0x7, v2;
	v3 =	vand.u32 @!p0 $0xFFFFFFC0, v3  }
0xb6: {  	v2 =	vor.u32 @!p0 v2, v3;
	v3 =	vand.u32 @!p0 $0x7, v4;
	v4 =	vshrl.u32 @!p0 v4, $0x3  }
0xb7: {  	v2 =	vperm.xlane @!p0 v2, v3;
	v4 =	vmul.u32 @!p0 $0x8, v4;
	_ =	sdelay $0x1  }
0xb8: {  	v2 =	vadd.s32 @!p0 v4, v2;
	_ =	sdelay $0x3  }
0xb9: {  	vm1 =	vmmov @!p0 $0xffff;
	s16 =	simm.s32 @!p0 $0x400;
	s10 =	simm.s32 @!p0 $0x0  }
0xba: {  	[tilespmem:s16], [sflag:$0x1] =	stream.indirect_vreg.gather @!p0 [hbm4b:s2+s10], $0x80, v2, vm1, $0xb8;
	[tilespmem:$0x10400] =	vst v63  }
0xbb: {  	s16 =	simm.s32 @!p0 $0xC00  }
0xbc: {  	[tilespmem:s16], [sflag:$0x1] =	stream.indirect_vreg.gather @!p0 [hbm4b:s5+s10], $0x80, v2, vm1, $0xb8;
	[tilespmem:$0x10400] =	vst v63  }
0xbd: {  	s16 =	simm.s32 @!p0 $0x1400  }
0xbe: {  	[tilespmem:s16], [sflag:$0x1] =	stream.indirect_vreg.gather @!p0 [hbm4b:s6+s10], $0x80, v2, vm1, $0xb8;
	[tilespmem:$0x10400] =	vst v63  }
0xbf: {  	s16 =	simm.s32 @!p0 $0x1C00  }
0xc0: {  	[tilespmem:s16], [sflag:$0x1] =	stream.indirect_vreg.gather @!p0 [hbm4b:s7+s10], $0x80, v2, vm1, $0xb8;
	[tilespmem:$0x10400] =	vst v63  }
0xc1: {  	s16 =	simm.s32 @!p0 $0x5  }
0xc2: {  	_ =	swait.ge @!p0 [sflag:s16], $0x2000  }
0xc3: {  	s17 =	sadd.s32 @!p0 s4, s9;
	[sflag:s16] =	ssyncset.done @!p0 $0x0  }
0xc4: {  	s18 =	simm.s32 @!p0 $0x8400;
	[sflag:s16] =	ssyncadd.s32 @!p0 $0xFFFFE000;
	s16 =	sadd.s32 @!p0 $0x1000, s17  }
0xc5: {  	[hbm4b:s16+s10] =	stream.linear.scatter @!p0 [tilespmem:s18], [sflag:$0xD], $0x2000, $0x38;
	[tilespmem:$0x10400] =	vst v63  }
0xc6: {  	s16 =	simm.s32 @!p0 $0xA  }
0xc7: {  	_ =	swait.ge @!p0 [sflag:s16], $0x2000  }
0xc8: {  	[sflag:s16] =	ssyncset.done @!p0 $0x0  }
0xc9: {  	[sflag:s16] =	ssyncadd.s32 @!p0 $0xFFFFE000  }
0xca: {  	v2 =	vld.msk @!p0 [tilespmem:s26+$0x18], $0xff;
	_ =	sdelay $0x4  }
0xcb: {  	v5 =	vshll.u32 @!p0 v2, $0x3  }
0xcc: {  	v2 =	vand.u32 @!p0 $0x7, v2;
	v5 =	vand.u32 @!p0 $0xFFFFFFC0, v5  }
0xcd: {  	v2 =	vor.u32 @!p0 v2, v5  }
0xce: {  	v2 =	vperm.xlane @!p0 v2, v3;
	_ =	sdelay $0x1  }
0xcf: {  	v2 =	vadd.s32 @!p0 v4, v2;
	_ =	sdelay $0x3  }
0xd0: {  	s16 =	simm.s32 @!p0 $0x2400  }
0xd1: {  	[tilespmem:s16], [sflag:$0x2] =	stream.indirect_vreg.gather @!p0 [hbm4b:s2+s10], $0x80, v2, vm1, $0xb8;
	[tilespmem:$0x10400] =	vst v63  }
0xd2: {  	s16 =	simm.s32 @!p0 $0x2C00  }
0xd3: {  	[tilespmem:s16], [sflag:$0x2] =	stream.indirect_vreg.gather @!p0 [hbm4b:s5+s10], $0x80, v2, vm1, $0xb8;
	[tilespmem:$0x10400] =	vst v63  }
0xd4: {  	s16 =	simm.s32 @!p0 $0x3400  }
0xd5: {  	[tilespmem:s16], [sflag:$0x2] =	stream.indirect_vreg.gather @!p0 [hbm4b:s6+s10], $0x80, v2, vm1, $0xb8;
	[tilespmem:$0x10400] =	vst v63  }
0xd6: {  	s16 =	simm.s32 @!p0 $0x3C00  }
0xd7: {  	[tilespmem:s16], [sflag:$0x2] =	stream.indirect_vreg.gather @!p0 [hbm4b:s7+s10], $0x80, v2, vm1, $0xb8;
	[tilespmem:$0x10400] =	vst v63  }
0xd8: {  	_ =	swait.ge [sflag:s12], $0x2000  }
0xd9: {  	[sflag:s12] =	ssyncset.done $0x0  }
0xda: {  	s18 =	sadd.s32 $0x1400, s8;
	s16 =	simm.s32 @p0 $0x7;
	[sflag:s12] =	ssyncadd.s32 $0xFFFFE000  }
0xdb: {  	[hbm4b:s18+s3] =	stream.linear.scatter [tilespmem:s29], [sflag:$0xE], $0x2000, $0x38;
	[tilespmem:$0x10400] =	vst v63  }
0xdc: {  	_ =	swait.ge @p0 [sflag:s16], $0x2000  }
0xdd: {  	[sflag:s16] =	ssyncset.done @p0 $0x0  }
0xde: {  	s18 =	rddreg [dreg:$0x5];
	[sflag:s16] =	ssyncadd.s32 @p0 $0xFFFFE000;
	s16 =	simm.s32 @p0 $0xC400  }
0xdf: {  	[hbm4b:s18+s14] =	stream.linear.scatter @p0 [tilespmem:s16], [sflag:$0xF], $0x2000, $0x38;
	[tilespmem:$0x10400] =	vst v63  }
0xe0: {  	s14 =	simm.s32 @!p0 $0xB  }
0xe1: {  	_ =	swait.ge @!p0 [sflag:s14], $0x2000  }
0xe2: {  	[sflag:s14] =	ssyncset.done @!p0 $0x0  }
0xe3: {  	[sflag:s14] =	ssyncadd.s32 @!p0 $0xFFFFE000  }
0xe4: {  	v2 =	vld.msk @!p0 [tilespmem:s26+$0x20], $0xff;
	_ =	sdelay $0x4  }
0xe5: {  	v5 =	vshll.u32 @!p0 v2, $0x3  }
0xe6: {  	v2 =	vand.u32 @!p0 $0x7, v2;
	v5 =	vand.u32 @!p0 $0xFFFFFFC0, v5  }
0xe7: {  	v2 =	vor.u32 @!p0 v2, v5  }
0xe8: {  	v2 =	vperm.xlane @!p0 v2, v3;
	_ =	sdelay $0x1  }
0xe9: {  	v2 =	vadd.s32 @!p0 v4, v2;
	_ =	sdelay $0x3  }
0xea: {  	s14 =	simm.s32 @!p0 $0x4400  }
0xeb: {  	[tilespmem:s14], [sflag:$0x3] =	stream.indirect_vreg.gather @!p0 [hbm4b:s2+s10], $0x80, v2, vm1, $0xb8;
	[tilespmem:$0x10400] =	vst v63  }
0xec: {  	s14 =	simm.s32 @!p0 $0x4C00  }
0xed: {  	[tilespmem:s14], [sflag:$0x3] =	stream.indirect_vreg.gather @!p0 [hbm4b:s5+s10], $0x80, v2, vm1, $0xb8;
	[tilespmem:$0x10400] =	vst v63  }
0xee: {  	s14 =	simm.s32 @!p0 $0x5400  }
0xef: {  	[tilespmem:s14], [sflag:$0x3] =	stream.indirect_vreg.gather @!p0 [hbm4b:s6+s10], $0x80, v2, vm1, $0xb8;
	[tilespmem:$0x10400] =	vst v63  }
0xf0: {  	s14 =	simm.s32 @!p0 $0x5C00  }
0xf1: {  	[tilespmem:s14], [sflag:$0x3] =	stream.indirect_vreg.gather @!p0 [hbm4b:s7+s10], $0x80, v2, vm1, $0xb8;
	[tilespmem:$0x10400] =	vst v63  }
0xf2: {  	s14 =	simm.s32 @!p0 $0x7  }
0xf3: {  	_ =	swait.ge @!p0 [sflag:s14], $0x2000  }
0xf4: {  	[sflag:s14] =	ssyncset.done @!p0 $0x0  }
0xf5: {  	s16 =	simm.s32 @!p0 $0xC400;
	[sflag:s14] =	ssyncadd.s32 @!p0 $0xFFFFE000;
	s14 =	sadd.s32 @!p0 $0x1800, s17  }
0xf6: {  	[hbm4b:s14+s10] =	stream.linear.scatter @!p0 [tilespmem:s16], [sflag:$0xF], $0x2000, $0x38;
	[tilespmem:$0x10400] =	vst v63  }
0xf7: {  	s14 =	simm.s32 @!p0 $0xC  }
0xf8: {  	_ =	swait.ge @!p0 [sflag:s14], $0x2000  }
0xf9: {  	[sflag:s14] =	ssyncset.done @!p0 $0x0  }
0xfa: {  	[sflag:s14] =	ssyncadd.s32 @!p0 $0xFFFFE000  }
0xfb: {  	v2 =	vld.msk @!p0 [tilespmem:s26+$0x28], $0xff;
	_ =	sdelay $0x4  }
0xfc: {  	v5 =	vshll.u32 @!p0 v2, $0x3  }
0xfd: {  	v2 =	vand.u32 @!p0 $0x7, v2;
	v5 =	vand.u32 @!p0 $0xFFFFFFC0, v5  }
0xfe: {  	v2 =	vor.u32 @!p0 v2, v5  }
0xff: {  	v2 =	vperm.xlane @!p0 v2, v3;
	_ =	sdelay $0x1  }
0x100: {  	v2 =	vadd.s32 @!p0 v4, v2;
	_ =	sdelay $0x3  }
0x101: {  	s14 =	simm.s32 @!p0 $0x6400  }
0x102: {  	[tilespmem:s14], [sflag:$0x4] =	stream.indirect_vreg.gather @!p0 [hbm4b:s2+s10], $0x80, v2, vm1, $0xb8;
	[tilespmem:$0x10400] =	vst v63  }
0x103: {  	s14 =	simm.s32 @!p0 $0x6C00  }
0x104: {  	[tilespmem:s14], [sflag:$0x4] =	stream.indirect_vreg.gather @!p0 [hbm4b:s5+s10], $0x80, v2, vm1, $0xb8;
	[tilespmem:$0x10400] =	vst v63  }
0x105: {  	s14 =	simm.s32 @!p0 $0x7400  }
0x106: {  	[tilespmem:s14], [sflag:$0x4] =	stream.indirect_vreg.gather @!p0 [hbm4b:s6+s10], $0x80, v2, vm1, $0xb8;
	[tilespmem:$0x10400] =	vst v63  }
0x107: {  	s4 =	sadd.s32 $0x2000, s4;
	s14 =	simm.s32 @!p0 $0x7C00  }
0x108: {  	[tilespmem:s14], [sflag:$0x4] =	stream.indirect_vreg.gather @!p0 [hbm4b:s7+s10], $0x80, v2, vm1, $0xb8;
	[tilespmem:$0x10400] =	vst v63  }
0x109: {  	p0 =	sne.s32 s4, $0x20000  }
.Ltmp0:
0x10a: {  	_ = 	snop;
	(pc) =	sbr.rel @p0 .LBB2_2-.Ltmp0, $4  }
0x10b: {  	_ =	swait.ge [sflag:s13], $0x2000  }
0x10c: {  	[sflag:s13] =	ssyncset.done $0x0  }
0x10d: {  	s8 =	sadd.s32 $0x1C00, s8;
	s26 =	sadd.s32 $0x40, s26;
	[sflag:s13] =	ssyncadd.s32 $0xFFFFE000  }
0x10e: {  	[hbm4b:s8+s3] =	stream.linear.scatter [tilespmem:s0], [sflag:$0x10], $0x2000, $0x38;
	[tilespmem:$0x10400] =	vst v63  }
0x10f: {  	s4 =	simm.s32 $0x9  }
0x110: {  	_ =	swait.ge [sflag:s4], $0x2000  }
0x111: {  	[sflag:s4] =	ssyncset.done $0x0  }
0x112: {  	s16 =	simm.s32 $0xA;
	[sflag:s4] =	ssyncadd.s32 $0xFFFFE000  }
0x113: {  	_ =	swait.ge [sflag:s16], $0x2000  }
0x114: {  	[sflag:s16] =	ssyncset.done $0x0  }
0x115: {  	s17 =	simm.s32 $0xB;
	[sflag:s16] =	ssyncadd.s32 $0xFFFFE000  }
0x116: {  	_ =	swait.ge [sflag:s17], $0x2000  }
0x117: {  	[sflag:s17] =	ssyncset.done $0x0  }
0x118: {  	s18 =	simm.s32 $0xC;
	[sflag:s17] =	ssyncadd.s32 $0xFFFFE000  }
0x119: {  	_ =	swait.ge [sflag:s18], $0x2000  }
0x11a: {  	[sflag:s18] =	ssyncset.done $0x0  }
0x11b: {  	[sflag:s18] =	ssyncadd.s32 $0xFFFFE000  }
0x11c: {  	_ =	swait.ge [sflag:s20], $0x2000  }
0x11d: {  	[sflag:s20] =	ssyncset.done $0x0  }
0x11e: {  	[sflag:s20] =	ssyncadd.s32 $0xFFFFE000  }
0x11f: {  	_ =	swait.ge [sflag:s21], $0x2000  }
0x120: {  	[sflag:s21] =	ssyncset.done $0x0  }
0x121: {  	[sflag:s21] =	ssyncadd.s32 $0xFFFFE000  }
0x122: {  	_ =	swait.ge [sflag:s22], $0x2000  }
0x123: {  	[sflag:s22] =	ssyncset.done $0x0  }
0x124: {  	[sflag:s22] =	ssyncadd.s32 $0xFFFFE000  }
0x125: {  	_ =	swait.ge [sflag:s24], $0x2000  }
0x126: {  	s25 =	sadd.s32 $0x1, s25;
	s26 =	rddreg [dreg:$0x15]  }
0x127: {  	p0 =	sne.s32 s25, s26  }
.Ltmp1:
0x128: {  	_ = 	snop;
	(pc) =	sbr.rel @p0 .LBB2_1-.Ltmp1, $3  }
0x129: {  	_ =	sdelay $0x1  }
0x12a: {  	[sflag:s24] =	ssyncset.done $0x0  }
0x12b: {  	[sflag:s24] =	ssyncadd.s32 $0xFFFFE000  }
0x12c: {  	_ =	sfence.sel $0x180000  }
0x12d: {  	[bflag:$0x0] =	sbarrier.arrive $0xFFFF  }
0x12e: {  	_ =	strace $0x90000047  }
0x12f: {  	s0 =	stileid.u32;
	[bflag:$0x2] =	sbarrier.arrive $0xFFFF  }
0x130: {  	p0 =	sne.s32 s0, $0x0;
	s0 =	rddreg [dreg:$0x3]  }
0x131: {  	s0 =	sadd.s32 @!p0 $0x100000, s0  }
0x132: {  	[sflag:s0] =	ssyncadd.tile.s32 @!p0 $0x1;
	_ =	shalt  }
.Lfunc_end2:
_tile_overlayer_lowered:
.L_overlay_start_2:
0x133: {  	(tag) =	ssettag $0x2  }
0x134: {  	s0 =	rddreg [dreg:$0x0];
	s2 =	stileid.u32  }
0x135: {  	s1 =	rddreg [dreg:$0x1];
	p0 =	sne.s32 s2, $0x0  }
0x136: {  	s3 =	rddreg [dreg:$0x2];
	[bflag:$0x3] =	sbarrier.arrive $0xFFFF;
	s2 =	simm.s32 @!p0 $0x1C11  }
0x137: {  	[timem:s3], [sflag:s2] =	dma.local @!p0 [hbm:s0], s1  }
0x138: {  	s0 =	simm.s32 @!p0 $0x11  }
0x139: {  	_ =	swait.ge @!p0 [sflag:s0], s1  }
0x13a: {  	s1 =	ssub.s32 @!p0 $0x0, s1;
	[sflag:s0] =	ssyncset.done @!p0 $0x0  }
0x13b: {  	[sflag:s0] =	ssyncadd.s32 @!p0 s1  }
0x13c: {  	[bflag:$0x3] =	sbarrier.arrive $0xFFFF  }
0x13d: {  	_ =	shalt  }

</sc_bundles>
